<compile_context>
chip_gen: v7x
topology: tpu7x:2x2x1
jax: 0.10.2.dev20260603
libtpu: 0.0.44.dev20260713+nightly
codegen_flags: <defaults>
</compile_context>

<pallas_src>
import jax
import jax.numpy as jnp
import numpy as np
from jax import lax
from jax.experimental import pallas as pl
from jax.experimental.pallas import tpu as pltpu
from jax.experimental.pallas import tpu_sc as plsc

N_L = 4096
N_M = 16384
F1 = 64
F2 = 64
H = 128
TQ = 512
GRID = N_M // TQ
K = 3
EPS = 1e-5

NC = 2
NS = 16
NW = NC * NS
QPER_W = N_M // NW
CHUNK = 128
NCHUNK = QPER_W // CHUNK

_SLAB_ROW = (np.arange(N_L, dtype=np.int32) // (N_L // 32))[None, :]

_HIGHEST = jax.lax.Precision.HIGHEST
_DEF = jax.lax.Precision.DEFAULT

NSLAB = 32
SLABW = N_L // NSLAB


def _dot(a, b, precision=_DEF):
    return jax.lax.dot_general(a, b, (((1,), (0,)), ((), ())),
                               precision=precision,
                               preferred_element_type=jnp.float32)



def _k1_body(q_ref, pT_ref, slab_ref, idx_ref, w_ref):
    q = q_ref[...]
    pT = pT_ref[...]
    qn = jnp.sum(q * q, axis=1, keepdims=True)
    pn = jnp.sum(pT * pT, axis=0, keepdims=True)
    g = _dot(q, pT, _HIGHEST)
    d2 = jnp.maximum(qn + pn - 2.0 * g, 0.0)

    b = jax.lax.bitcast_convert_type(d2, jnp.int32)
    keys = jax.lax.bitcast_convert_type((b & ~(NSLAB - 1)) | slab_ref[...],
                                        jnp.float32)

    lane_iota = jax.lax.broadcasted_iota(jnp.int32, (TQ, SLABW), 1)
    idxs, ws = [], []
    wsum = jnp.zeros((TQ, 1), jnp.float32)
    for k in range(K):
        cmin = keys[:, :SLABW]
        for s in range(1, NSLAB):
            cmin = jnp.minimum(cmin, keys[:, s * SLABW:(s + 1) * SLABW])
        m = jnp.min(cmin, axis=1, keepdims=True)
        lane = jnp.min(jnp.where(cmin == m, lane_iota, SLABW),
                       axis=1, keepdims=True)
        mi = jax.lax.bitcast_convert_type(m, jnp.int32)
        slab = mi & (NSLAB - 1)
        d2t = jax.lax.bitcast_convert_type(mi & ~(NSLAB - 1), jnp.float32)
        idxs.append(slab * SLABW + lane)
        wk = 1.0 / jnp.maximum(d2t, 1e-12)
        ws.append(wk)
        wsum = wsum + wk
        if k < K - 1:
            keys = jnp.where(keys == m, jnp.inf, keys)
    inv = 1.0 / wsum
    idx_ref[...] = jnp.concatenate(idxs, axis=1)
    w_ref[...] = jnp.concatenate([w * inv for w in ws], axis=1)



def _sc_gather_body(pf_hbm, idx_hbm, out_hbm, idx_v, rows_v, sem):
    wid = lax.axis_index("s") * NC + lax.axis_index("c")
    qbase = wid * QPER_W
    for k in range(K):
        pltpu.sync_copy(idx_hbm.at[pl.ds(k * N_M + qbase, QPER_W)], idx_v)
        copies = []
        for c in range(NCHUNK):
            copies.append(pltpu.async_copy(
                pf_hbm.at[idx_v.at[pl.ds(c * CHUNK, CHUNK)]],
                rows_v.at[pl.ds(c * CHUNK, CHUNK)], sem))
        for cp in copies:
            cp.wait()
        pltpu.sync_copy(rows_v, out_hbm.at[pl.ds(k * N_M + qbase, QPER_W)])



def _bn_from_stats(st_ref, r, g_ref, be_ref):
    mu = st_ref[r:r + 1, :] * (1.0 / N_M)
    var = st_ref[r + 1:r + 2, :] * (1.0 / N_M) - mu * mu
    scale = g_ref[...] / jnp.sqrt(var + EPS)
    shift = be_ref[...] - mu * scale
    return scale, shift


def _mlp_body(q_ref, of_ref, g0_ref, g1_ref, g2_ref, w_ref, w0c_ref,
              w0f_ref, w0i_ref, b0_ref, g0p_ref, be0_ref, w1_ref, b1_ref,
              g1p_ref, be1_ref, o_ref, ya_ref, yb_ref, st_ref):
    p = pl.program_id(0)
    t = pl.program_id(1)
    rows = pl.ds(t * TQ, TQ)

    @pl.when(jnp.logical_and(p == 0, t == 0))
    def _init():
        st_ref[...] = jnp.zeros((8, H), jnp.float32)

    @pl.when(p == 0)
    def _phase0():
        w = w_ref[...]
        interp = (g0_ref[:, :F1] * w[:, 0:1] + g1_ref[:, :F1] * w[:, 1:2]
                  + g2_ref[:, :F1] * w[:, 2:3])
        y0 = (_dot(q_ref[...], w0c_ref[...]) + _dot(of_ref[...], w0f_ref[...])
              + _dot(interp, w0i_ref[...]) + b0_ref[...])
        ya_ref[rows, :] = y0
        st_ref[0:1, :] += jnp.sum(y0, axis=0, keepdims=True)
        st_ref[1:2, :] += jnp.sum(y0 * y0, axis=0, keepdims=True)

    @pl.when(p == 1)
    def _phase1():
        scale, shift = _bn_from_stats(st_ref, 0, g0p_ref, be0_ref)
        h = jnp.maximum(ya_ref[rows, :] * scale + shift, 0.0)
        y1 = _dot(h, w1_ref[...]) + b1_ref[...]
        yb_ref[rows, :] = y1
        st_ref[2:3, :] += jnp.sum(y1, axis=0, keepdims=True)
        st_ref[3:4, :] += jnp.sum(y1 * y1, axis=0, keepdims=True)

    @pl.when(p == 2)
    def _phase2():
        scale, shift = _bn_from_stats(st_ref, 2, g1p_ref, be1_ref)
        o_ref[...] = jnp.maximum(yb_ref[rows, :] * scale + shift, 0.0)


@jax.jit
def kernel(prop_coords, prop_feats, orig_coords, orig_feats,
           W0, b0, g0, be0, W1, b1, g1, be1):
    qpad = orig_coords
    pT = prop_coords.T
    w0c = W0[:3]
    w0f = W0[3:3 + F2]
    w0i = W0[3 + F2:]

    slab_row = _SLAB_ROW
    full = lambda shp: pl.BlockSpec(shp, lambda i: (0,) * len(shp))
    row = lambda w: pl.BlockSpec((TQ, w), lambda i: (i, 0))

    idxq, w3 = pl.pallas_call(
        _k1_body,
        grid=(GRID,),
        in_specs=[row(3), full((3, N_L)), full((1, N_L))],
        out_specs=[row(K), row(K)],
        out_shape=[jax.ShapeDtypeStruct((N_M, K), jnp.int32),
                   jax.ShapeDtypeStruct((N_M, K), jnp.float32)],
    )(qpad, pT, slab_row)

    sc_gather = pl.kernel(
        _sc_gather_body,
        out_type=jax.ShapeDtypeStruct((K * N_M, 2 * F1), jnp.float32),
        mesh=plsc.VectorSubcoreMesh(core_axis_name="c", subcore_axis_name="s"),
        scratch_types=[pltpu.VMEM((QPER_W,), jnp.int32),
                       pltpu.VMEM((QPER_W, 2 * F1), jnp.float32),
                       pltpu.SemaphoreType.DMA],
    )
    pf_pad = jnp.pad(prop_feats, ((0, 0), (0, 64)))
    gath = sc_gather(pf_pad, idxq.T.reshape(K * N_M))

    rowp = lambda w: pl.BlockSpec((TQ, w),
                                  lambda p, i: (jnp.where(p == 0, i, 0), 0))
    fullp = lambda shp: pl.BlockSpec(shp, lambda p, i: (0,) * len(shp))
    gblkp = lambda k: pl.BlockSpec(
        (TQ, 2 * F1),
        lambda p, i, k=k: (k * GRID + jnp.where(p == 0, i, 0), 0))
    out = pl.pallas_call(
        _mlp_body,
        grid=(3, GRID),
        in_specs=[rowp(3), rowp(F2), gblkp(0), gblkp(1), gblkp(2), rowp(K),
                  fullp((3, H)), fullp((F2, H)), fullp((F1, H)),
                  fullp((1, H)), fullp((1, H)), fullp((1, H)),
                  fullp((H, H)), fullp((1, H)), fullp((1, H)),
                  fullp((1, H))],
        out_specs=pl.BlockSpec((TQ, H),
                               lambda p, i: (jnp.where(p == 2, i, 0), 0)),
        out_shape=jax.ShapeDtypeStruct((N_M, H), jnp.float32),
        scratch_shapes=[pltpu.VMEM((N_M, H), jnp.float32),
                        pltpu.VMEM((N_M, H), jnp.float32),
                        pltpu.VMEM((8, H), jnp.float32)],
    )(qpad, orig_feats, gath, gath, gath, w3, w0c, w0f, w0i, b0[None, :],
      g0[None, :], be0[None, :], W1, b1[None, :], g1[None, :], be1[None, :])
    return out

# --- scband reference (transcript-rebuilt; emitter-appended) ---
"""Pipeline reference for scband-seg-network-9998683865706 (READ-ONLY COPY).

The authoritative reference and input builder live on the scoring server;
editing this copy changes nothing except your own understanding.
"""

import jax, jax.numpy as jnp
import numpy as np

N_L = 4096
N_M = 16384
F1 = 64
F2 = 64
C = F1 + F2
D_IN = C + 3
H = 128


def setup_inputs(seed: int = 0) -> dict:
    key = jax.random.key(seed)
    ks = jax.random.split(key, 8)
    return {
        "prop_coords": jax.random.uniform(ks[0], (N_L, 3), dtype=jnp.float32),
        "prop_feats": jax.random.normal(ks[1], (N_L, F1), dtype=jnp.float32),
        "orig_coords": jax.random.uniform(ks[2], (N_M, 3), dtype=jnp.float32),
        "orig_feats": jax.random.normal(ks[3], (N_M, F2), dtype=jnp.float32),
        "W0": jax.random.normal(ks[4], (D_IN, H), dtype=jnp.float32) * 0.05,
        "b0": jnp.zeros((H,), dtype=jnp.float32),
        "g0": jnp.ones((H,), dtype=jnp.float32),
        "be0": jnp.zeros((H,), dtype=jnp.float32),
        "W1": jax.random.normal(ks[5], (H, H), dtype=jnp.float32) * 0.05,
        "b1": jnp.zeros((H,), dtype=jnp.float32),
        "g1": jnp.ones((H,), dtype=jnp.float32),
        "be1": jnp.zeros((H,), dtype=jnp.float32),
    }


def _point_feature_propagation(prop_coords, prop_feats, interp_coords, p=2, k=3):
    # pairwise distances: (N_m, N_l)
    diff = prop_coords[None, :, :] - interp_coords[:, None, :]
    dist = jnp.linalg.norm(diff, axis=2)
    sorted_idx = jnp.argsort(dist, axis=1)[:, :k]
    sorted_dist = jnp.sort(dist, axis=1)[:, :k]
    threshold = 1e-06
    sorted_dist = jnp.where(sorted_dist < threshold, threshold, sorted_dist)
    w = sorted_dist ** (-p)
    w_sum = jnp.sum(w, axis=1)
    sel = jnp.take(prop_feats, sorted_idx, axis=0)  # (N_m, k, F1)
    weighted = jnp.sum(sel * w[:, :, None], axis=1)
    return weighted / w_sum[:, None]


def _bn(x, g, b, eps=1e-5):
    mu = jnp.mean(x, axis=0)
    var = jnp.var(x, axis=0)
    return (x - mu) / jnp.sqrt(var + eps) * g + b


def reference(prop_coords, prop_feats, orig_coords, orig_feats,
              W0, b0, g0, be0, W1, b1, g1, be1):
    # torch code converts to numpy (detached) for interpolation -> stop_gradient
    interp = jax.lax.stop_gradient(
        _point_feature_propagation(prop_coords, prop_feats, orig_coords))
    feats = jnp.concatenate([orig_feats, interp], axis=1)
    x = jnp.concatenate([orig_coords, feats], axis=1)
    x = jax.nn.relu(_bn(x @ W0 + b0, g0, be0))
    x = jax.nn.relu(_bn(x @ W1 + b1, g1, be1))
    # Dropout(0.5) is identity at inference
    return x

if __name__ == "__main__":
    import jax
    _d = setup_inputs()
    print(jax.jit(kernel)(*tuple(_d.values())))

</pallas_src>

<mosaic_0001>
#map = affine_map<(d0, d1) -> (0, 0)>
#map1 = affine_map<(d0, d1) -> (0)>
module attributes {stable_mosaic.version = 14 : i64} {
  func.func @_sc_gather_body(%arg0: i32, %arg1: i32, %arg2: memref<4096x128xf32, #tpu.memory_space<hbm>>, %arg3: memref<49152xi32, #tpu.memory_space<hbm>>, %arg4: memref<49152x128xf32, #tpu.memory_space<hbm>>, %arg5: memref<512xi32, #tpu.memory_space<vmem>>, %arg6: memref<512x128xf32, #tpu.memory_space<vmem>>, %arg7: memref<!tpu.dma_semaphore, #tpu.memory_space<semaphore_mem>>) attributes {dimension_semantics = [#tpu.dimension_semantics<core_parallel>, #tpu.dimension_semantics<subcore_parallel>], iteration_bounds = array<i64: 2, 16>, scalar_prefetch = 0 : i64, scratch_operands = 3 : i64, tpu.core_type = #tpu.core_type<sc_vector_subcore>, window_params = [{transform_indices = #map}, {transform_indices = #map1}, {transform_indices = #map}]} {
    %mul3A = arith.constant 2 : i32
    %mul3A_0 = arith.muli %arg1, %mul3A : i32
    %add3A = arith.addi %mul3A_0, %arg0 : i32
    %mul3A_1 = arith.constant 512 : i32
    %mul3A_2 = arith.muli %add3A, %mul3A_1 : i32
    %add3A_3 = arith.constant 0 : i32
    %add3A_4 = arith.addi %add3A_3, %mul3A_2 : i32
    "tpu.region"() ({
      %run_scoped3A = tpu.sem_alloc : memref<!tpu.dma_semaphore, #tpu.memory_space<semaphore_mem>>
      %dma_start3A_205 = tpu.memref_slice %arg3[%add3A_4] : memref<49152xi32, #tpu.memory_space<hbm>> -> memref<512xi32, #tpu.memory_space<hbm>>
      %dma_start3A_206 = tpu.memref_slice %arg3[%add3A_4] : memref<49152xi32, #tpu.memory_space<hbm>> -> memref<512xi32, #tpu.memory_space<hbm>>
      tpu.enqueue_dma source(%dma_start3A_206 : memref<512xi32, #tpu.memory_space<hbm>>) target(%arg5 : memref<512xi32, #tpu.memory_space<vmem>>) target_semaphore(%run_scoped3A : memref<!tpu.dma_semaphore, #tpu.memory_space<semaphore_mem>>)
      %dma_wait3A_207 = tpu.memref_slice %arg3[%add3A_4] : memref<49152xi32, #tpu.memory_space<hbm>> -> memref<512xi32, #tpu.memory_space<hbm>>
      %dma_wait3A_208 = tpu.memref_slice %arg3[%add3A_4] : memref<49152xi32, #tpu.memory_space<hbm>> -> memref<512xi32, #tpu.memory_space<hbm>>
      tpu.wait_dma2 semaphore(%run_scoped3A : memref<!tpu.dma_semaphore, #tpu.memory_space<semaphore_mem>>) src(%dma_wait3A_208 : memref<512xi32, #tpu.memory_space<hbm>>) dst(%arg5 : memref<512xi32, #tpu.memory_space<vmem>>)
      tpu.yield
    }) : () -> ()
    %dma_start3A = arith.constant 0 : i32
    %dma_start3A_5 = arith.constant 0 : i32
    %dma_start3A_6 = tpu.memref_slice %arg6[%dma_start3A, %dma_start3A_5] : memref<512x128xf32, #tpu.memory_space<vmem>> -> memref<128x128xf32, #tpu.memory_space<vmem>>
    %dma_start3A_7 = arith.constant 0 : i32
    %dma_start3A_8 = tpu.memref_slice %arg5[%dma_start3A_7] : memref<512xi32, #tpu.memory_space<vmem>> -> memref<128xi32, #tpu.memory_space<vmem>>
    %dma_start3A_9 = arith.constant 0 : i32
    %dma_start3A_10 = arith.constant 0 : i32
    %dma_start3A_11 = tpu.memref_slice %arg2[%dma_start3A_9, %dma_start3A_10] : memref<4096x128xf32, #tpu.memory_space<hbm>> -> memref<4096x128xf32, #tpu.memory_space<hbm>>
    tpu.enqueue_indirect_dma source(%dma_start3A_11 : memref<4096x128xf32, #tpu.memory_space<hbm>>) target(%dma_start3A_6 : memref<128x128xf32, #tpu.memory_space<vmem>>) offsets(%dma_start3A_8 : memref<128xi32, #tpu.memory_space<vmem>>) semaphore(%arg7 : memref<!tpu.dma_semaphore, #tpu.memory_space<semaphore_mem>>)
    %dma_start3A_12 = arith.constant 128 : i32
    %dma_start3A_13 = arith.constant 0 : i32
    %dma_start3A_14 = tpu.memref_slice %arg6[%dma_start3A_12, %dma_start3A_13] : memref<512x128xf32, #tpu.memory_space<vmem>> -> memref<128x128xf32, #tpu.memory_space<vmem>>
    %dma_start3A_15 = arith.constant 128 : i32
    %dma_start3A_16 = tpu.memref_slice %arg5[%dma_start3A_15] : memref<512xi32, #tpu.memory_space<vmem>> -> memref<128xi32, #tpu.memory_space<vmem>>
    %dma_start3A_17 = arith.constant 0 : i32
    %dma_start3A_18 = arith.constant 0 : i32
    %dma_start3A_19 = tpu.memref_slice %arg2[%dma_start3A_17, %dma_start3A_18] : memref<4096x128xf32, #tpu.memory_space<hbm>> -> memref<4096x128xf32, #tpu.memory_space<hbm>>
    tpu.enqueue_indirect_dma source(%dma_start3A_19 : memref<4096x128xf32, #tpu.memory_space<hbm>>) target(%dma_start3A_14 : memref<128x128xf32, #tpu.memory_space<vmem>>) offsets(%dma_start3A_16 : memref<128xi32, #tpu.memory_space<vmem>>) semaphore(%arg7 : memref<!tpu.dma_semaphore, #tpu.memory_space<semaphore_mem>>)
    %dma_start3A_20 = arith.constant 256 : i32
    %dma_start3A_21 = arith.constant 0 : i32
    %dma_start3A_22 = tpu.memref_slice %arg6[%dma_start3A_20, %dma_start3A_21] : memref<512x128xf32, #tpu.memory_space<vmem>> -> memref<128x128xf32, #tpu.memory_space<vmem>>
    %dma_start3A_23 = arith.constant 256 : i32
    %dma_start3A_24 = tpu.memref_slice %arg5[%dma_start3A_23] : memref<512xi32, #tpu.memory_space<vmem>> -> memref<128xi32, #tpu.memory_space<vmem>>
    %dma_start3A_25 = arith.constant 0 : i32
    %dma_start3A_26 = arith.constant 0 : i32
    %dma_start3A_27 = tpu.memref_slice %arg2[%dma_start3A_25, %dma_start3A_26] : memref<4096x128xf32, #tpu.memory_space<hbm>> -> memref<4096x128xf32, #tpu.memory_space<hbm>>
    tpu.enqueue_indirect_dma source(%dma_start3A_27 : memref<4096x128xf32, #tpu.memory_space<hbm>>) target(%dma_start3A_22 : memref<128x128xf32, #tpu.memory_space<vmem>>) offsets(%dma_start3A_24 : memref<128xi32, #tpu.memory_space<vmem>>) semaphore(%arg7 : memref<!tpu.dma_semaphore, #tpu.memory_space<semaphore_mem>>)
    %dma_start3A_28 = arith.constant 384 : i32
    %dma_start3A_29 = arith.constant 0 : i32
    %dma_start3A_30 = tpu.memref_slice %arg6[%dma_start3A_28, %dma_start3A_29] : memref<512x128xf32, #tpu.memory_space<vmem>> -> memref<128x128xf32, #tpu.memory_space<vmem>>
    %dma_start3A_31 = arith.constant 384 : i32
    %dma_start3A_32 = tpu.memref_slice %arg5[%dma_start3A_31] : memref<512xi32, #tpu.memory_space<vmem>> -> memref<128xi32, #tpu.memory_space<vmem>>
    %dma_start3A_33 = arith.constant 0 : i32
    %dma_start3A_34 = arith.constant 0 : i32
    %dma_start3A_35 = tpu.memref_slice %arg2[%dma_start3A_33, %dma_start3A_34] : memref<4096x128xf32, #tpu.memory_space<hbm>> -> memref<4096x128xf32, #tpu.memory_space<hbm>>
    tpu.enqueue_indirect_dma source(%dma_start3A_35 : memref<4096x128xf32, #tpu.memory_space<hbm>>) target(%dma_start3A_30 : memref<128x128xf32, #tpu.memory_space<vmem>>) offsets(%dma_start3A_32 : memref<128xi32, #tpu.memory_space<vmem>>) semaphore(%arg7 : memref<!tpu.dma_semaphore, #tpu.memory_space<semaphore_mem>>)
    %dma_wait3A = arith.constant 0 : i32
    %dma_wait3A_36 = arith.constant 0 : i32
    %dma_wait3A_37 = tpu.memref_slice %arg6[%dma_wait3A, %dma_wait3A_36] : memref<512x128xf32, #tpu.memory_space<vmem>> -> memref<128x128xf32, #tpu.memory_space<vmem>>
    %dma_wait3A_38 = arith.constant 0 : i32
    %dma_wait3A_39 = tpu.memref_slice %arg5[%dma_wait3A_38] : memref<512xi32, #tpu.memory_space<vmem>> -> memref<128xi32, #tpu.memory_space<vmem>>
    %dma_wait3A_40 = arith.constant 0 : i32
    %dma_wait3A_41 = arith.constant 0 : i32
    %dma_wait3A_42 = tpu.memref_slice %arg2[%dma_wait3A_40, %dma_wait3A_41] : memref<4096x128xf32, #tpu.memory_space<hbm>> -> memref<4096x128xf32, #tpu.memory_space<hbm>>
    tpu.wait_indirect_dma semaphore(%arg7 : memref<!tpu.dma_semaphore, #tpu.memory_space<semaphore_mem>>) src(%dma_wait3A_42 : memref<4096x128xf32, #tpu.memory_space<hbm>>) dst(%dma_wait3A_37 : memref<128x128xf32, #tpu.memory_space<vmem>>)
    %dma_wait3A_43 = arith.constant 128 : i32
    %dma_wait3A_44 = arith.constant 0 : i32
    %dma_wait3A_45 = tpu.memref_slice %arg6[%dma_wait3A_43, %dma_wait3A_44] : memref<512x128xf32, #tpu.memory_space<vmem>> -> memref<128x128xf32, #tpu.memory_space<vmem>>
    %dma_wait3A_46 = arith.constant 128 : i32
    %dma_wait3A_47 = tpu.memref_slice %arg5[%dma_wait3A_46] : memref<512xi32, #tpu.memory_space<vmem>> -> memref<128xi32, #tpu.memory_space<vmem>>
    %dma_wait3A_48 = arith.constant 0 : i32
    %dma_wait3A_49 = arith.constant 0 : i32
    %dma_wait3A_50 = tpu.memref_slice %arg2[%dma_wait3A_48, %dma_wait3A_49] : memref<4096x128xf32, #tpu.memory_space<hbm>> -> memref<4096x128xf32, #tpu.memory_space<hbm>>
    tpu.wait_indirect_dma semaphore(%arg7 : memref<!tpu.dma_semaphore, #tpu.memory_space<semaphore_mem>>) src(%dma_wait3A_50 : memref<4096x128xf32, #tpu.memory_space<hbm>>) dst(%dma_wait3A_45 : memref<128x128xf32, #tpu.memory_space<vmem>>)
    %dma_wait3A_51 = arith.constant 256 : i32
    %dma_wait3A_52 = arith.constant 0 : i32
    %dma_wait3A_53 = tpu.memref_slice %arg6[%dma_wait3A_51, %dma_wait3A_52] : memref<512x128xf32, #tpu.memory_space<vmem>> -> memref<128x128xf32, #tpu.memory_space<vmem>>
    %dma_wait3A_54 = arith.constant 256 : i32
    %dma_wait3A_55 = tpu.memref_slice %arg5[%dma_wait3A_54] : memref<512xi32, #tpu.memory_space<vmem>> -> memref<128xi32, #tpu.memory_space<vmem>>
    %dma_wait3A_56 = arith.constant 0 : i32
    %dma_wait3A_57 = arith.constant 0 : i32
    %dma_wait3A_58 = tpu.memref_slice %arg2[%dma_wait3A_56, %dma_wait3A_57] : memref<4096x128xf32, #tpu.memory_space<hbm>> -> memref<4096x128xf32, #tpu.memory_space<hbm>>
    tpu.wait_indirect_dma semaphore(%arg7 : memref<!tpu.dma_semaphore, #tpu.memory_space<semaphore_mem>>) src(%dma_wait3A_58 : memref<4096x128xf32, #tpu.memory_space<hbm>>) dst(%dma_wait3A_53 : memref<128x128xf32, #tpu.memory_space<vmem>>)
    %dma_wait3A_59 = arith.constant 384 : i32
    %dma_wait3A_60 = arith.constant 0 : i32
    %dma_wait3A_61 = tpu.memref_slice %arg6[%dma_wait3A_59, %dma_wait3A_60] : memref<512x128xf32, #tpu.memory_space<vmem>> -> memref<128x128xf32, #tpu.memory_space<vmem>>
    %dma_wait3A_62 = arith.constant 384 : i32
    %dma_wait3A_63 = tpu.memref_slice %arg5[%dma_wait3A_62] : memref<512xi32, #tpu.memory_space<vmem>> -> memref<128xi32, #tpu.memory_space<vmem>>
    %dma_wait3A_64 = arith.constant 0 : i32
    %dma_wait3A_65 = arith.constant 0 : i32
    %dma_wait3A_66 = tpu.memref_slice %arg2[%dma_wait3A_64, %dma_wait3A_65] : memref<4096x128xf32, #tpu.memory_space<hbm>> -> memref<4096x128xf32, #tpu.memory_space<hbm>>
    tpu.wait_indirect_dma semaphore(%arg7 : memref<!tpu.dma_semaphore, #tpu.memory_space<semaphore_mem>>) src(%dma_wait3A_66 : memref<4096x128xf32, #tpu.memory_space<hbm>>) dst(%dma_wait3A_61 : memref<128x128xf32, #tpu.memory_space<vmem>>)
    %add3A_67 = arith.constant 0 : i32
    %add3A_68 = arith.addi %add3A_67, %mul3A_2 : i32
    "tpu.region"() ({
      %run_scoped3A = tpu.sem_alloc : memref<!tpu.dma_semaphore, #tpu.memory_space<semaphore_mem>>
      %dma_start3A_205 = arith.constant 0 : i32
      %dma_start3A_206 = tpu.memref_slice %arg4[%add3A_68, %dma_start3A_205] : memref<49152x128xf32, #tpu.memory_space<hbm>> -> memref<512x128xf32, #tpu.memory_space<hbm>>
      %dma_start3A_207 = arith.constant 0 : i32
      %dma_start3A_208 = tpu.memref_slice %arg4[%add3A_68, %dma_start3A_207] : memref<49152x128xf32, #tpu.memory_space<hbm>> -> memref<512x128xf32, #tpu.memory_space<hbm>>
      tpu.enqueue_dma source(%arg6 : memref<512x128xf32, #tpu.memory_space<vmem>>) target(%dma_start3A_208 : memref<512x128xf32, #tpu.memory_space<hbm>>) target_semaphore(%run_scoped3A : memref<!tpu.dma_semaphore, #tpu.memory_space<semaphore_mem>>)
      %dma_wait3A_209 = arith.constant 0 : i32
      %dma_wait3A_210 = tpu.memref_slice %arg4[%add3A_68, %dma_wait3A_209] : memref<49152x128xf32, #tpu.memory_space<hbm>> -> memref<512x128xf32, #tpu.memory_space<hbm>>
      %dma_wait3A_211 = arith.constant 0 : i32
      %dma_wait3A_212 = tpu.memref_slice %arg4[%add3A_68, %dma_wait3A_211] : memref<49152x128xf32, #tpu.memory_space<hbm>> -> memref<512x128xf32, #tpu.memory_space<hbm>>
      tpu.wait_dma2 semaphore(%run_scoped3A : memref<!tpu.dma_semaphore, #tpu.memory_space<semaphore_mem>>) src(%arg6 : memref<512x128xf32, #tpu.memory_space<vmem>>) dst(%dma_wait3A_212 : memref<512x128xf32, #tpu.memory_space<hbm>>)
      tpu.yield
    }) : () -> ()
    %add3A_69 = arith.constant 16384 : i32
    %add3A_70 = arith.addi %add3A_69, %mul3A_2 : i32
    "tpu.region"() ({
      %run_scoped3A = tpu.sem_alloc : memref<!tpu.dma_semaphore, #tpu.memory_space<semaphore_mem>>
      %dma_start3A_205 = tpu.memref_slice %arg3[%add3A_70] : memref<49152xi32, #tpu.memory_space<hbm>> -> memref<512xi32, #tpu.memory_space<hbm>>
      %dma_start3A_206 = tpu.memref_slice %arg3[%add3A_70] : memref<49152xi32, #tpu.memory_space<hbm>> -> memref<512xi32, #tpu.memory_space<hbm>>
      tpu.enqueue_dma source(%dma_start3A_206 : memref<512xi32, #tpu.memory_space<hbm>>) target(%arg5 : memref<512xi32, #tpu.memory_space<vmem>>) target_semaphore(%run_scoped3A : memref<!tpu.dma_semaphore, #tpu.memory_space<semaphore_mem>>)
      %dma_wait3A_207 = tpu.memref_slice %arg3[%add3A_70] : memref<49152xi32, #tpu.memory_space<hbm>> -> memref<512xi32, #tpu.memory_space<hbm>>
      %dma_wait3A_208 = tpu.memref_slice %arg3[%add3A_70] : memref<49152xi32, #tpu.memory_space<hbm>> -> memref<512xi32, #tpu.memory_space<hbm>>
      tpu.wait_dma2 semaphore(%run_scoped3A : memref<!tpu.dma_semaphore, #tpu.memory_space<semaphore_mem>>) src(%dma_wait3A_208 : memref<512xi32, #tpu.memory_space<hbm>>) dst(%arg5 : memref<512xi32, #tpu.memory_space<vmem>>)
      tpu.yield
    }) : () -> ()
    %dma_start3A_71 = arith.constant 0 : i32
    %dma_start3A_72 = arith.constant 0 : i32
    %dma_start3A_73 = tpu.memref_slice %arg6[%dma_start3A_71, %dma_start3A_72] : memref<512x128xf32, #tpu.memory_space<vmem>> -> memref<128x128xf32, #tpu.memory_space<vmem>>
    %dma_start3A_74 = arith.constant 0 : i32
    %dma_start3A_75 = tpu.memref_slice %arg5[%dma_start3A_74] : memref<512xi32, #tpu.memory_space<vmem>> -> memref<128xi32, #tpu.memory_space<vmem>>
    %dma_start3A_76 = arith.constant 0 : i32
    %dma_start3A_77 = arith.constant 0 : i32
    %dma_start3A_78 = tpu.memref_slice %arg2[%dma_start3A_76, %dma_start3A_77] : memref<4096x128xf32, #tpu.memory_space<hbm>> -> memref<4096x128xf32, #tpu.memory_space<hbm>>
    tpu.enqueue_indirect_dma source(%dma_start3A_78 : memref<4096x128xf32, #tpu.memory_space<hbm>>) target(%dma_start3A_73 : memref<128x128xf32, #tpu.memory_space<vmem>>) offsets(%dma_start3A_75 : memref<128xi32, #tpu.memory_space<vmem>>) semaphore(%arg7 : memref<!tpu.dma_semaphore, #tpu.memory_space<semaphore_mem>>)
    %dma_start3A_79 = arith.constant 128 : i32
    %dma_start3A_80 = arith.constant 0 : i32
    %dma_start3A_81 = tpu.memref_slice %arg6[%dma_start3A_79, %dma_start3A_80] : memref<512x128xf32, #tpu.memory_space<vmem>> -> memref<128x128xf32, #tpu.memory_space<vmem>>
    %dma_start3A_82 = arith.constant 128 : i32
    %dma_start3A_83 = tpu.memref_slice %arg5[%dma_start3A_82] : memref<512xi32, #tpu.memory_space<vmem>> -> memref<128xi32, #tpu.memory_space<vmem>>
    %dma_start3A_84 = arith.constant 0 : i32
    %dma_start3A_85 = arith.constant 0 : i32
    %dma_start3A_86 = tpu.memref_slice %arg2[%dma_start3A_84, %dma_start3A_85] : memref<4096x128xf32, #tpu.memory_space<hbm>> -> memref<4096x128xf32, #tpu.memory_space<hbm>>
    tpu.enqueue_indirect_dma source(%dma_start3A_86 : memref<4096x128xf32, #tpu.memory_space<hbm>>) target(%dma_start3A_81 : memref<128x128xf32, #tpu.memory_space<vmem>>) offsets(%dma_start3A_83 : memref<128xi32, #tpu.memory_space<vmem>>) semaphore(%arg7 : memref<!tpu.dma_semaphore, #tpu.memory_space<semaphore_mem>>)
    %dma_start3A_87 = arith.constant 256 : i32
    %dma_start3A_88 = arith.constant 0 : i32
    %dma_start3A_89 = tpu.memref_slice %arg6[%dma_start3A_87, %dma_start3A_88] : memref<512x128xf32, #tpu.memory_space<vmem>> -> memref<128x128xf32, #tpu.memory_space<vmem>>
    %dma_start3A_90 = arith.constant 256 : i32
    %dma_start3A_91 = tpu.memref_slice %arg5[%dma_start3A_90] : memref<512xi32, #tpu.memory_space<vmem>> -> memref<128xi32, #tpu.memory_space<vmem>>
    %dma_start3A_92 = arith.constant 0 : i32
    %dma_start3A_93 = arith.constant 0 : i32
    %dma_start3A_94 = tpu.memref_slice %arg2[%dma_start3A_92, %dma_start3A_93] : memref<4096x128xf32, #tpu.memory_space<hbm>> -> memref<4096x128xf32, #tpu.memory_space<hbm>>
    tpu.enqueue_indirect_dma source(%dma_start3A_94 : memref<4096x128xf32, #tpu.memory_space<hbm>>) target(%dma_start3A_89 : memref<128x128xf32, #tpu.memory_space<vmem>>) offsets(%dma_start3A_91 : memref<128xi32, #tpu.memory_space<vmem>>) semaphore(%arg7 : memref<!tpu.dma_semaphore, #tpu.memory_space<semaphore_mem>>)
    %dma_start3A_95 = arith.constant 384 : i32
    %dma_start3A_96 = arith.constant 0 : i32
    %dma_start3A_97 = tpu.memref_slice %arg6[%dma_start3A_95, %dma_start3A_96] : memref<512x128xf32, #tpu.memory_space<vmem>> -> memref<128x128xf32, #tpu.memory_space<vmem>>
    %dma_start3A_98 = arith.constant 384 : i32
    %dma_start3A_99 = tpu.memref_slice %arg5[%dma_start3A_98] : memref<512xi32, #tpu.memory_space<vmem>> -> memref<128xi32, #tpu.memory_space<vmem>>
    %dma_start3A_100 = arith.constant 0 : i32
    %dma_start3A_101 = arith.constant 0 : i32
    %dma_start3A_102 = tpu.memref_slice %arg2[%dma_start3A_100, %dma_start3A_101] : memref<4096x128xf32, #tpu.memory_space<hbm>> -> memref<4096x128xf32, #tpu.memory_space<hbm>>
    tpu.enqueue_indirect_dma source(%dma_start3A_102 : memref<4096x128xf32, #tpu.memory_space<hbm>>) target(%dma_start3A_97 : memref<128x128xf32, #tpu.memory_space<vmem>>) offsets(%dma_start3A_99 : memref<128xi32, #tpu.memory_space<vmem>>) semaphore(%arg7 : memref<!tpu.dma_semaphore, #tpu.memory_space<semaphore_mem>>)
    %dma_wait3A_103 = arith.constant 0 : i32
    %dma_wait3A_104 = arith.constant 0 : i32
    %dma_wait3A_105 = tpu.memref_slice %arg6[%dma_wait3A_103, %dma_wait3A_104] : memref<512x128xf32, #tpu.memory_space<vmem>> -> memref<128x128xf32, #tpu.memory_space<vmem>>
    %dma_wait3A_106 = arith.constant 0 : i32
    %dma_wait3A_107 = tpu.memref_slice %arg5[%dma_wait3A_106] : memref<512xi32, #tpu.memory_space<vmem>> -> memref<128xi32, #tpu.memory_space<vmem>>
    %dma_wait3A_108 = arith.constant 0 : i32
    %dma_wait3A_109 = arith.constant 0 : i32
    %dma_wait3A_110 = tpu.memref_slice %arg2[%dma_wait3A_108, %dma_wait3A_109] : memref<4096x128xf32, #tpu.memory_space<hbm>> -> memref<4096x128xf32, #tpu.memory_space<hbm>>
    tpu.wait_indirect_dma semaphore(%arg7 : memref<!tpu.dma_semaphore, #tpu.memory_space<semaphore_mem>>) src(%dma_wait3A_110 : memref<4096x128xf32, #tpu.memory_space<hbm>>) dst(%dma_wait3A_105 : memref<128x128xf32, #tpu.memory_space<vmem>>)
    %dma_wait3A_111 = arith.constant 128 : i32
    %dma_wait3A_112 = arith.constant 0 : i32
    %dma_wait3A_113 = tpu.memref_slice %arg6[%dma_wait3A_111, %dma_wait3A_112] : memref<512x128xf32, #tpu.memory_space<vmem>> -> memref<128x128xf32, #tpu.memory_space<vmem>>
    %dma_wait3A_114 = arith.constant 128 : i32
    %dma_wait3A_115 = tpu.memref_slice %arg5[%dma_wait3A_114] : memref<512xi32, #tpu.memory_space<vmem>> -> memref<128xi32, #tpu.memory_space<vmem>>
    %dma_wait3A_116 = arith.constant 0 : i32
    %dma_wait3A_117 = arith.constant 0 : i32
    %dma_wait3A_118 = tpu.memref_slice %arg2[%dma_wait3A_116, %dma_wait3A_117] : memref<4096x128xf32, #tpu.memory_space<hbm>> -> memref<4096x128xf32, #tpu.memory_space<hbm>>
    tpu.wait_indirect_dma semaphore(%arg7 : memref<!tpu.dma_semaphore, #tpu.memory_space<semaphore_mem>>) src(%dma_wait3A_118 : memref<4096x128xf32, #tpu.memory_space<hbm>>) dst(%dma_wait3A_113 : memref<128x128xf32, #tpu.memory_space<vmem>>)
    %dma_wait3A_119 = arith.constant 256 : i32
    %dma_wait3A_120 = arith.constant 0 : i32
    %dma_wait3A_121 = tpu.memref_slice %arg6[%dma_wait3A_119, %dma_wait3A_120] : memref<512x128xf32, #tpu.memory_space<vmem>> -> memref<128x128xf32, #tpu.memory_space<vmem>>
    %dma_wait3A_122 = arith.constant 256 : i32
    %dma_wait3A_123 = tpu.memref_slice %arg5[%dma_wait3A_122] : memref<512xi32, #tpu.memory_space<vmem>> -> memref<128xi32, #tpu.memory_space<vmem>>
    %dma_wait3A_124 = arith.constant 0 : i32
    %dma_wait3A_125 = arith.constant 0 : i32
    %dma_wait3A_126 = tpu.memref_slice %arg2[%dma_wait3A_124, %dma_wait3A_125] : memref<4096x128xf32, #tpu.memory_space<hbm>> -> memref<4096x128xf32, #tpu.memory_space<hbm>>
    tpu.wait_indirect_dma semaphore(%arg7 : memref<!tpu.dma_semaphore, #tpu.memory_space<semaphore_mem>>) src(%dma_wait3A_126 : memref<4096x128xf32, #tpu.memory_space<hbm>>) dst(%dma_wait3A_121 : memref<128x128xf32, #tpu.memory_space<vmem>>)
    %dma_wait3A_127 = arith.constant 384 : i32
    %dma_wait3A_128 = arith.constant 0 : i32
    %dma_wait3A_129 = tpu.memref_slice %arg6[%dma_wait3A_127, %dma_wait3A_128] : memref<512x128xf32, #tpu.memory_space<vmem>> -> memref<128x128xf32, #tpu.memory_space<vmem>>
    %dma_wait3A_130 = arith.constant 384 : i32
    %dma_wait3A_131 = tpu.memref_slice %arg5[%dma_wait3A_130] : memref<512xi32, #tpu.memory_space<vmem>> -> memref<128xi32, #tpu.memory_space<vmem>>
    %dma_wait3A_132 = arith.constant 0 : i32
    %dma_wait3A_133 = arith.constant 0 : i32
    %dma_wait3A_134 = tpu.memref_slice %arg2[%dma_wait3A_132, %dma_wait3A_133] : memref<4096x128xf32, #tpu.memory_space<hbm>> -> memref<4096x128xf32, #tpu.memory_space<hbm>>
    tpu.wait_indirect_dma semaphore(%arg7 : memref<!tpu.dma_semaphore, #tpu.memory_space<semaphore_mem>>) src(%dma_wait3A_134 : memref<4096x128xf32, #tpu.memory_space<hbm>>) dst(%dma_wait3A_129 : memref<128x128xf32, #tpu.memory_space<vmem>>)
    %add3A_135 = arith.constant 16384 : i32
    %add3A_136 = arith.addi %add3A_135, %mul3A_2 : i32
    "tpu.region"() ({
      %run_scoped3A = tpu.sem_alloc : memref<!tpu.dma_semaphore, #tpu.memory_space<semaphore_mem>>
      %dma_start3A_205 = arith.constant 0 : i32
      %dma_start3A_206 = tpu.memref_slice %arg4[%add3A_136, %dma_start3A_205] : memref<49152x128xf32, #tpu.memory_space<hbm>> -> memref<512x128xf32, #tpu.memory_space<hbm>>
      %dma_start3A_207 = arith.constant 0 : i32
      %dma_start3A_208 = tpu.memref_slice %arg4[%add3A_136, %dma_start3A_207] : memref<49152x128xf32, #tpu.memory_space<hbm>> -> memref<512x128xf32, #tpu.memory_space<hbm>>
      tpu.enqueue_dma source(%arg6 : memref<512x128xf32, #tpu.memory_space<vmem>>) target(%dma_start3A_208 : memref<512x128xf32, #tpu.memory_space<hbm>>) target_semaphore(%run_scoped3A : memref<!tpu.dma_semaphore, #tpu.memory_space<semaphore_mem>>)
      %dma_wait3A_209 = arith.constant 0 : i32
      %dma_wait3A_210 = tpu.memref_slice %arg4[%add3A_136, %dma_wait3A_209] : memref<49152x128xf32, #tpu.memory_space<hbm>> -> memref<512x128xf32, #tpu.memory_space<hbm>>
      %dma_wait3A_211 = arith.constant 0 : i32
      %dma_wait3A_212 = tpu.memref_slice %arg4[%add3A_136, %dma_wait3A_211] : memref<49152x128xf32, #tpu.memory_space<hbm>> -> memref<512x128xf32, #tpu.memory_space<hbm>>
      tpu.wait_dma2 semaphore(%run_scoped3A : memref<!tpu.dma_semaphore, #tpu.memory_space<semaphore_mem>>) src(%arg6 : memref<512x128xf32, #tpu.memory_space<vmem>>) dst(%dma_wait3A_212 : memref<512x128xf32, #tpu.memory_space<hbm>>)
      tpu.yield
    }) : () -> ()
    %add3A_137 = arith.constant 32768 : i32
    %add3A_138 = arith.addi %add3A_137, %mul3A_2 : i32
    "tpu.region"() ({
      %run_scoped3A = tpu.sem_alloc : memref<!tpu.dma_semaphore, #tpu.memory_space<semaphore_mem>>
      %dma_start3A_205 = tpu.memref_slice %arg3[%add3A_138] : memref<49152xi32, #tpu.memory_space<hbm>> -> memref<512xi32, #tpu.memory_space<hbm>>
      %dma_start3A_206 = tpu.memref_slice %arg3[%add3A_138] : memref<49152xi32, #tpu.memory_space<hbm>> -> memref<512xi32, #tpu.memory_space<hbm>>
      tpu.enqueue_dma source(%dma_start3A_206 : memref<512xi32, #tpu.memory_space<hbm>>) target(%arg5 : memref<512xi32, #tpu.memory_space<vmem>>) target_semaphore(%run_scoped3A : memref<!tpu.dma_semaphore, #tpu.memory_space<semaphore_mem>>)
      %dma_wait3A_207 = tpu.memref_slice %arg3[%add3A_138] : memref<49152xi32, #tpu.memory_space<hbm>> -> memref<512xi32, #tpu.memory_space<hbm>>
      %dma_wait3A_208 = tpu.memref_slice %arg3[%add3A_138] : memref<49152xi32, #tpu.memory_space<hbm>> -> memref<512xi32, #tpu.memory_space<hbm>>
      tpu.wait_dma2 semaphore(%run_scoped3A : memref<!tpu.dma_semaphore, #tpu.memory_space<semaphore_mem>>) src(%dma_wait3A_208 : memref<512xi32, #tpu.memory_space<hbm>>) dst(%arg5 : memref<512xi32, #tpu.memory_space<vmem>>)
      tpu.yield
    }) : () -> ()
    %dma_start3A_139 = arith.constant 0 : i32
    %dma_start3A_140 = arith.constant 0 : i32
    %dma_start3A_141 = tpu.memref_slice %arg6[%dma_start3A_139, %dma_start3A_140] : memref<512x128xf32, #tpu.memory_space<vmem>> -> memref<128x128xf32, #tpu.memory_space<vmem>>
    %dma_start3A_142 = arith.constant 0 : i32
    %dma_start3A_143 = tpu.memref_slice %arg5[%dma_start3A_142] : memref<512xi32, #tpu.memory_space<vmem>> -> memref<128xi32, #tpu.memory_space<vmem>>
    %dma_start3A_144 = arith.constant 0 : i32
    %dma_start3A_145 = arith.constant 0 : i32
    %dma_start3A_146 = tpu.memref_slice %arg2[%dma_start3A_144, %dma_start3A_145] : memref<4096x128xf32, #tpu.memory_space<hbm>> -> memref<4096x128xf32, #tpu.memory_space<hbm>>
    tpu.enqueue_indirect_dma source(%dma_start3A_146 : memref<4096x128xf32, #tpu.memory_space<hbm>>) target(%dma_start3A_141 : memref<128x128xf32, #tpu.memory_space<vmem>>) offsets(%dma_start3A_143 : memref<128xi32, #tpu.memory_space<vmem>>) semaphore(%arg7 : memref<!tpu.dma_semaphore, #tpu.memory_space<semaphore_mem>>)
    %dma_start3A_147 = arith.constant 128 : i32
    %dma_start3A_148 = arith.constant 0 : i32
    %dma_start3A_149 = tpu.memref_slice %arg6[%dma_start3A_147, %dma_start3A_148] : memref<512x128xf32, #tpu.memory_space<vmem>> -> memref<128x128xf32, #tpu.memory_space<vmem>>
    %dma_start3A_150 = arith.constant 128 : i32
    %dma_start3A_151 = tpu.memref_slice %arg5[%dma_start3A_150] : memref<512xi32, #tpu.memory_space<vmem>> -> memref<128xi32, #tpu.memory_space<vmem>>
    %dma_start3A_152 = arith.constant 0 : i32
    %dma_start3A_153 = arith.constant 0 : i32
    %dma_start3A_154 = tpu.memref_slice %arg2[%dma_start3A_152, %dma_start3A_153] : memref<4096x128xf32, #tpu.memory_space<hbm>> -> memref<4096x128xf32, #tpu.memory_space<hbm>>
    tpu.enqueue_indirect_dma source(%dma_start3A_154 : memref<4096x128xf32, #tpu.memory_space<hbm>>) target(%dma_start3A_149 : memref<128x128xf32, #tpu.memory_space<vmem>>) offsets(%dma_start3A_151 : memref<128xi32, #tpu.memory_space<vmem>>) semaphore(%arg7 : memref<!tpu.dma_semaphore, #tpu.memory_space<semaphore_mem>>)
    %dma_start3A_155 = arith.constant 256 : i32
    %dma_start3A_156 = arith.constant 0 : i32
    %dma_start3A_157 = tpu.memref_slice %arg6[%dma_start3A_155, %dma_start3A_156] : memref<512x128xf32, #tpu.memory_space<vmem>> -> memref<128x128xf32, #tpu.memory_space<vmem>>
    %dma_start3A_158 = arith.constant 256 : i32
    %dma_start3A_159 = tpu.memref_slice %arg5[%dma_start3A_158] : memref<512xi32, #tpu.memory_space<vmem>> -> memref<128xi32, #tpu.memory_space<vmem>>
    %dma_start3A_160 = arith.constant 0 : i32
    %dma_start3A_161 = arith.constant 0 : i32
    %dma_start3A_162 = tpu.memref_slice %arg2[%dma_start3A_160, %dma_start3A_161] : memref<4096x128xf32, #tpu.memory_space<hbm>> -> memref<4096x128xf32, #tpu.memory_space<hbm>>
    tpu.enqueue_indirect_dma source(%dma_start3A_162 : memref<4096x128xf32, #tpu.memory_space<hbm>>) target(%dma_start3A_157 : memref<128x128xf32, #tpu.memory_space<vmem>>) offsets(%dma_start3A_159 : memref<128xi32, #tpu.memory_space<vmem>>) semaphore(%arg7 : memref<!tpu.dma_semaphore, #tpu.memory_space<semaphore_mem>>)
    %dma_start3A_163 = arith.constant 384 : i32
    %dma_start3A_164 = arith.constant 0 : i32
    %dma_start3A_165 = tpu.memref_slice %arg6[%dma_start3A_163, %dma_start3A_164] : memref<512x128xf32, #tpu.memory_space<vmem>> -> memref<128x128xf32, #tpu.memory_space<vmem>>
    %dma_start3A_166 = arith.constant 384 : i32
    %dma_start3A_167 = tpu.memref_slice %arg5[%dma_start3A_166] : memref<512xi32, #tpu.memory_space<vmem>> -> memref<128xi32, #tpu.memory_space<vmem>>
    %dma_start3A_168 = arith.constant 0 : i32
    %dma_start3A_169 = arith.constant 0 : i32
    %dma_start3A_170 = tpu.memref_slice %arg2[%dma_start3A_168, %dma_start3A_169] : memref<4096x128xf32, #tpu.memory_space<hbm>> -> memref<4096x128xf32, #tpu.memory_space<hbm>>
    tpu.enqueue_indirect_dma source(%dma_start3A_170 : memref<4096x128xf32, #tpu.memory_space<hbm>>) target(%dma_start3A_165 : memref<128x128xf32, #tpu.memory_space<vmem>>) offsets(%dma_start3A_167 : memref<128xi32, #tpu.memory_space<vmem>>) semaphore(%arg7 : memref<!tpu.dma_semaphore, #tpu.memory_space<semaphore_mem>>)
    %dma_wait3A_171 = arith.constant 0 : i32
    %dma_wait3A_172 = arith.constant 0 : i32
    %dma_wait3A_173 = tpu.memref_slice %arg6[%dma_wait3A_171, %dma_wait3A_172] : memref<512x128xf32, #tpu.memory_space<vmem>> -> memref<128x128xf32, #tpu.memory_space<vmem>>
    %dma_wait3A_174 = arith.constant 0 : i32
    %dma_wait3A_175 = tpu.memref_slice %arg5[%dma_wait3A_174] : memref<512xi32, #tpu.memory_space<vmem>> -> memref<128xi32, #tpu.memory_space<vmem>>
    %dma_wait3A_176 = arith.constant 0 : i32
    %dma_wait3A_177 = arith.constant 0 : i32
    %dma_wait3A_178 = tpu.memref_slice %arg2[%dma_wait3A_176, %dma_wait3A_177] : memref<4096x128xf32, #tpu.memory_space<hbm>> -> memref<4096x128xf32, #tpu.memory_space<hbm>>
    tpu.wait_indirect_dma semaphore(%arg7 : memref<!tpu.dma_semaphore, #tpu.memory_space<semaphore_mem>>) src(%dma_wait3A_178 : memref<4096x128xf32, #tpu.memory_space<hbm>>) dst(%dma_wait3A_173 : memref<128x128xf32, #tpu.memory_space<vmem>>)
    %dma_wait3A_179 = arith.constant 128 : i32
    %dma_wait3A_180 = arith.constant 0 : i32
    %dma_wait3A_181 = tpu.memref_slice %arg6[%dma_wait3A_179, %dma_wait3A_180] : memref<512x128xf32, #tpu.memory_space<vmem>> -> memref<128x128xf32, #tpu.memory_space<vmem>>
    %dma_wait3A_182 = arith.constant 128 : i32
    %dma_wait3A_183 = tpu.memref_slice %arg5[%dma_wait3A_182] : memref<512xi32, #tpu.memory_space<vmem>> -> memref<128xi32, #tpu.memory_space<vmem>>
    %dma_wait3A_184 = arith.constant 0 : i32
    %dma_wait3A_185 = arith.constant 0 : i32
    %dma_wait3A_186 = tpu.memref_slice %arg2[%dma_wait3A_184, %dma_wait3A_185] : memref<4096x128xf32, #tpu.memory_space<hbm>> -> memref<4096x128xf32, #tpu.memory_space<hbm>>
    tpu.wait_indirect_dma semaphore(%arg7 : memref<!tpu.dma_semaphore, #tpu.memory_space<semaphore_mem>>) src(%dma_wait3A_186 : memref<4096x128xf32, #tpu.memory_space<hbm>>) dst(%dma_wait3A_181 : memref<128x128xf32, #tpu.memory_space<vmem>>)
    %dma_wait3A_187 = arith.constant 256 : i32
    %dma_wait3A_188 = arith.constant 0 : i32
    %dma_wait3A_189 = tpu.memref_slice %arg6[%dma_wait3A_187, %dma_wait3A_188] : memref<512x128xf32, #tpu.memory_space<vmem>> -> memref<128x128xf32, #tpu.memory_space<vmem>>
    %dma_wait3A_190 = arith.constant 256 : i32
    %dma_wait3A_191 = tpu.memref_slice %arg5[%dma_wait3A_190] : memref<512xi32, #tpu.memory_space<vmem>> -> memref<128xi32, #tpu.memory_space<vmem>>
    %dma_wait3A_192 = arith.constant 0 : i32
    %dma_wait3A_193 = arith.constant 0 : i32
    %dma_wait3A_194 = tpu.memref_slice %arg2[%dma_wait3A_192, %dma_wait3A_193] : memref<4096x128xf32, #tpu.memory_space<hbm>> -> memref<4096x128xf32, #tpu.memory_space<hbm>>
    tpu.wait_indirect_dma semaphore(%arg7 : memref<!tpu.dma_semaphore, #tpu.memory_space<semaphore_mem>>) src(%dma_wait3A_194 : memref<4096x128xf32, #tpu.memory_space<hbm>>) dst(%dma_wait3A_189 : memref<128x128xf32, #tpu.memory_space<vmem>>)
    %dma_wait3A_195 = arith.constant 384 : i32
    %dma_wait3A_196 = arith.constant 0 : i32
    %dma_wait3A_197 = tpu.memref_slice %arg6[%dma_wait3A_195, %dma_wait3A_196] : memref<512x128xf32, #tpu.memory_space<vmem>> -> memref<128x128xf32, #tpu.memory_space<vmem>>
    %dma_wait3A_198 = arith.constant 384 : i32
    %dma_wait3A_199 = tpu.memref_slice %arg5[%dma_wait3A_198] : memref<512xi32, #tpu.memory_space<vmem>> -> memref<128xi32, #tpu.memory_space<vmem>>
    %dma_wait3A_200 = arith.constant 0 : i32
    %dma_wait3A_201 = arith.constant 0 : i32
    %dma_wait3A_202 = tpu.memref_slice %arg2[%dma_wait3A_200, %dma_wait3A_201] : memref<4096x128xf32, #tpu.memory_space<hbm>> -> memref<4096x128xf32, #tpu.memory_space<hbm>>
    tpu.wait_indirect_dma semaphore(%arg7 : memref<!tpu.dma_semaphore, #tpu.memory_space<semaphore_mem>>) src(%dma_wait3A_202 : memref<4096x128xf32, #tpu.memory_space<hbm>>) dst(%dma_wait3A_197 : memref<128x128xf32, #tpu.memory_space<vmem>>)
    %add3A_203 = arith.constant 32768 : i32
    %add3A_204 = arith.addi %add3A_203, %mul3A_2 : i32
    "tpu.region"() ({
      %run_scoped3A = tpu.sem_alloc : memref<!tpu.dma_semaphore, #tpu.memory_space<semaphore_mem>>
      %dma_start3A_205 = arith.constant 0 : i32
      %dma_start3A_206 = tpu.memref_slice %arg4[%add3A_204, %dma_start3A_205] : memref<49152x128xf32, #tpu.memory_space<hbm>> -> memref<512x128xf32, #tpu.memory_space<hbm>>
      %dma_start3A_207 = arith.constant 0 : i32
      %dma_start3A_208 = tpu.memref_slice %arg4[%add3A_204, %dma_start3A_207] : memref<49152x128xf32, #tpu.memory_space<hbm>> -> memref<512x128xf32, #tpu.memory_space<hbm>>
      tpu.enqueue_dma source(%arg6 : memref<512x128xf32, #tpu.memory_space<vmem>>) target(%dma_start3A_208 : memref<512x128xf32, #tpu.memory_space<hbm>>) target_semaphore(%run_scoped3A : memref<!tpu.dma_semaphore, #tpu.memory_space<semaphore_mem>>)
      %dma_wait3A_209 = arith.constant 0 : i32
      %dma_wait3A_210 = tpu.memref_slice %arg4[%add3A_204, %dma_wait3A_209] : memref<49152x128xf32, #tpu.memory_space<hbm>> -> memref<512x128xf32, #tpu.memory_space<hbm>>
      %dma_wait3A_211 = arith.constant 0 : i32
      %dma_wait3A_212 = tpu.memref_slice %arg4[%add3A_204, %dma_wait3A_211] : memref<49152x128xf32, #tpu.memory_space<hbm>> -> memref<512x128xf32, #tpu.memory_space<hbm>>
      tpu.wait_dma2 semaphore(%run_scoped3A : memref<!tpu.dma_semaphore, #tpu.memory_space<semaphore_mem>>) src(%arg6 : memref<512x128xf32, #tpu.memory_space<vmem>>) dst(%dma_wait3A_212 : memref<512x128xf32, #tpu.memory_space<hbm>>)
      tpu.yield
    }) : () -> ()
    return
  }
}

module attributes {stable_mosaic.version = 14 : i64} {
  func.func @_k1_body(%arg0: i32, %arg1: memref<512x3xf32, #tpu.memory_space<vmem>>, %arg2: memref<3x4096xf32, #tpu.memory_space<vmem>>, %arg3: memref<1x4096xi32, #tpu.memory_space<vmem>>, %arg4: memref<512x3xi32, #tpu.memory_space<vmem>>, %arg5: memref<512x3xf32, #tpu.memory_space<vmem>>) attributes {dimension_semantics = [#tpu.dimension_semantics<arbitrary>], iteration_bounds = array<i64: 32>, scalar_prefetch = 0 : i64, scratch_operands = 0 : i64, tpu.core_type = #tpu.core_type<tc>, window_params = [{transform_indices = @transform_0, window_bounds = array<i64: 512, 3>}, {pipeline_mode = #tpu.pipeline_mode<synchronous>, transform_indices = @transform_1, window_bounds = array<i64: 3, 4096>}, {pipeline_mode = #tpu.pipeline_mode<synchronous>, transform_indices = @transform_2, window_bounds = array<i64: 1, 4096>}, {transform_indices = @transform_3, window_bounds = array<i64: 512, 3>}, {transform_indices = @transform_4, window_bounds = array<i64: 512, 3>}]} {
    %get3A = arith.constant 0 : index
    %get3A_0 = arith.constant 0 : index
    %get3A_1 = vector.load %arg1[%get3A, %get3A_0] : memref<512x3xf32, #tpu.memory_space<vmem>>, vector<512x3xf32>
    %get3A_2 = arith.constant 0 : index
    %get3A_3 = arith.constant 0 : index
    %get3A_4 = vector.load %arg2[%get3A_2, %get3A_3] : memref<3x4096xf32, #tpu.memory_space<vmem>>, vector<3x4096xf32>
    %mul3A = arith.mulf %get3A_1, %get3A_1 : vector<512x3xf32>
    %reduce_sum3A = arith.constant dense<0.000000e+00> : vector<512xf32>
    %reduce_sum3A_5 = vector.multi_reduction <add>, %mul3A, %reduce_sum3A [1] : vector<512x3xf32> to vector<512xf32>
    %broadcast_in_dim3A = vector.shape_cast %reduce_sum3A_5 : vector<512xf32> to vector<512x1xf32>
    %mul3A_6 = arith.mulf %get3A_4, %get3A_4 : vector<3x4096xf32>
    %reduce_sum3A_7 = arith.constant dense<0.000000e+00> : vector<4096xf32>
    %reduce_sum3A_8 = vector.multi_reduction <add>, %mul3A_6, %reduce_sum3A_7 [0] : vector<3x4096xf32> to vector<4096xf32>
    %broadcast_in_dim3A_9 = vector.shape_cast %reduce_sum3A_8 : vector<4096xf32> to vector<1x4096xf32>
    %dot_general3A = arith.constant dense<0.000000e+00> : vector<512x4096xf32>
    %dot_general3A_10 = tpu.matmul %get3A_1, %get3A_4, %dot_general3A {dimension_numbers = #tpu.dot_dimension_numbers<[1], [0], [0], [1], [0, 0, 1, 1], [], []>, precision = #tpu.contract_precision<fp32>, transpose_lhs_hint = false} : vector<512x3xf32>, vector<3x4096xf32>, vector<512x4096xf32> -> vector<512x4096xf32>
    %add3A = vector.broadcast %broadcast_in_dim3A : vector<512x1xf32> to vector<512x4096xf32>
    %add3A_11 = vector.broadcast %broadcast_in_dim3A_9 : vector<1x4096xf32> to vector<512x4096xf32>
    %add3A_12 = arith.addf %add3A, %add3A_11 : vector<512x4096xf32>
    %mul3A_13 = arith.constant 2.000000e+00 : f32
    %mul3A_14 = vector.broadcast %mul3A_13 : f32 to vector<512x4096xf32>
    %mul3A_15 = arith.mulf %mul3A_14, %dot_general3A_10 : vector<512x4096xf32>
    %sub3A = arith.subf %add3A_12, %mul3A_15 : vector<512x4096xf32>
    %max3A = arith.constant 0.000000e+00 : f32
    %max3A_16 = vector.broadcast %max3A : f32 to vector<512x4096xf32>
    %max3A_17 = arith.maximumf %sub3A, %max3A_16 : vector<512x4096xf32>
    %bitcast_convert_type3A = tpu.bitcast %max3A_17 : vector<512x4096xf32> -> vector<512x4096xi32>
    %and3A = arith.constant -32 : i32
    %and3A_18 = vector.broadcast %and3A : i32 to vector<512x4096xi32>
    %and3A_19 = arith.andi %bitcast_convert_type3A, %and3A_18 : vector<512x4096xi32>
    %get3A_20 = arith.constant 0 : index
    %get3A_21 = arith.constant 0 : index
    %get3A_22 = vector.load %arg3[%get3A_20, %get3A_21] : memref<1x4096xi32, #tpu.memory_space<vmem>>, vector<1x4096xi32>
    %or3A = vector.broadcast %get3A_22 : vector<1x4096xi32> to vector<512x4096xi32>
    %or3A_23 = arith.ori %and3A_19, %or3A : vector<512x4096xi32>
    %bitcast_convert_type3A_24 = tpu.bitcast %or3A_23 : vector<512x4096xi32> -> vector<512x4096xf32>
    %iota3A = tpu.iota {dimensions = array<i32: 1>} : vector<512x128xi32>
    %broadcast_in_dim3A_25 = arith.constant 0.000000e+00 : f32
    %broadcast_in_dim3A_26 = vector.broadcast %broadcast_in_dim3A_25 : f32 to vector<512x1xf32>
    %slice3A = vector.extract_strided_slice %bitcast_convert_type3A_24 {offsets = [0, 0], sizes = [512, 128], strides = [1, 1]} : vector<512x4096xf32> to vector<512x128xf32>
    %slice3A_27 = vector.extract_strided_slice %bitcast_convert_type3A_24 {offsets = [0, 128], sizes = [512, 128], strides = [1, 1]} : vector<512x4096xf32> to vector<512x128xf32>
    %min3A = arith.minimumf %slice3A, %slice3A_27 : vector<512x128xf32>
    %slice3A_28 = vector.extract_strided_slice %bitcast_convert_type3A_24 {offsets = [0, 256], sizes = [512, 128], strides = [1, 1]} : vector<512x4096xf32> to vector<512x128xf32>
    %min3A_29 = arith.minimumf %min3A, %slice3A_28 : vector<512x128xf32>
    %slice3A_30 = vector.extract_strided_slice %bitcast_convert_type3A_24 {offsets = [0, 384], sizes = [512, 128], strides = [1, 1]} : vector<512x4096xf32> to vector<512x128xf32>
    %min3A_31 = arith.minimumf %min3A_29, %slice3A_30 : vector<512x128xf32>
    %slice3A_32 = vector.extract_strided_slice %bitcast_convert_type3A_24 {offsets = [0, 512], sizes = [512, 128], strides = [1, 1]} : vector<512x4096xf32> to vector<512x128xf32>
    %min3A_33 = arith.minimumf %min3A_31, %slice3A_32 : vector<512x128xf32>
    %slice3A_34 = vector.extract_strided_slice %bitcast_convert_type3A_24 {offsets = [0, 640], sizes = [512, 128], strides = [1, 1]} : vector<512x4096xf32> to vector<512x128xf32>
    %min3A_35 = arith.minimumf %min3A_33, %slice3A_34 : vector<512x128xf32>
    %slice3A_36 = vector.extract_strided_slice %bitcast_convert_type3A_24 {offsets = [0, 768], sizes = [512, 128], strides = [1, 1]} : vector<512x4096xf32> to vector<512x128xf32>
    %min3A_37 = arith.minimumf %min3A_35, %slice3A_36 : vector<512x128xf32>
    %slice3A_38 = vector.extract_strided_slice %bitcast_convert_type3A_24 {offsets = [0, 896], sizes = [512, 128], strides = [1, 1]} : vector<512x4096xf32> to vector<512x128xf32>
    %min3A_39 = arith.minimumf %min3A_37, %slice3A_38 : vector<512x128xf32>
    %slice3A_40 = vector.extract_strided_slice %bitcast_convert_type3A_24 {offsets = [0, 1024], sizes = [512, 128], strides = [1, 1]} : vector<512x4096xf32> to vector<512x128xf32>
    %min3A_41 = arith.minimumf %min3A_39, %slice3A_40 : vector<512x128xf32>
    %slice3A_42 = vector.extract_strided_slice %bitcast_convert_type3A_24 {offsets = [0, 1152], sizes = [512, 128], strides = [1, 1]} : vector<512x4096xf32> to vector<512x128xf32>
    %min3A_43 = arith.minimumf %min3A_41, %slice3A_42 : vector<512x128xf32>
    %slice3A_44 = vector.extract_strided_slice %bitcast_convert_type3A_24 {offsets = [0, 1280], sizes = [512, 128], strides = [1, 1]} : vector<512x4096xf32> to vector<512x128xf32>
    %min3A_45 = arith.minimumf %min3A_43, %slice3A_44 : vector<512x128xf32>
    %slice3A_46 = vector.extract_strided_slice %bitcast_convert_type3A_24 {offsets = [0, 1408], sizes = [512, 128], strides = [1, 1]} : vector<512x4096xf32> to vector<512x128xf32>
    %min3A_47 = arith.minimumf %min3A_45, %slice3A_46 : vector<512x128xf32>
    %slice3A_48 = vector.extract_strided_slice %bitcast_convert_type3A_24 {offsets = [0, 1536], sizes = [512, 128], strides = [1, 1]} : vector<512x4096xf32> to vector<512x128xf32>
    %min3A_49 = arith.minimumf %min3A_47, %slice3A_48 : vector<512x128xf32>
    %slice3A_50 = vector.extract_strided_slice %bitcast_convert_type3A_24 {offsets = [0, 1664], sizes = [512, 128], strides = [1, 1]} : vector<512x4096xf32> to vector<512x128xf32>
    %min3A_51 = arith.minimumf %min3A_49, %slice3A_50 : vector<512x128xf32>
    %slice3A_52 = vector.extract_strided_slice %bitcast_convert_type3A_24 {offsets = [0, 1792], sizes = [512, 128], strides = [1, 1]} : vector<512x4096xf32> to vector<512x128xf32>
    %min3A_53 = arith.minimumf %min3A_51, %slice3A_52 : vector<512x128xf32>
    %slice3A_54 = vector.extract_strided_slice %bitcast_convert_type3A_24 {offsets = [0, 1920], sizes = [512, 128], strides = [1, 1]} : vector<512x4096xf32> to vector<512x128xf32>
    %min3A_55 = arith.minimumf %min3A_53, %slice3A_54 : vector<512x128xf32>
    %slice3A_56 = vector.extract_strided_slice %bitcast_convert_type3A_24 {offsets = [0, 2048], sizes = [512, 128], strides = [1, 1]} : vector<512x4096xf32> to vector<512x128xf32>
    %min3A_57 = arith.minimumf %min3A_55, %slice3A_56 : vector<512x128xf32>
    %slice3A_58 = vector.extract_strided_slice %bitcast_convert_type3A_24 {offsets = [0, 2176], sizes = [512, 128], strides = [1, 1]} : vector<512x4096xf32> to vector<512x128xf32>
    %min3A_59 = arith.minimumf %min3A_57, %slice3A_58 : vector<512x128xf32>
    %slice3A_60 = vector.extract_strided_slice %bitcast_convert_type3A_24 {offsets = [0, 2304], sizes = [512, 128], strides = [1, 1]} : vector<512x4096xf32> to vector<512x128xf32>
    %min3A_61 = arith.minimumf %min3A_59, %slice3A_60 : vector<512x128xf32>
    %slice3A_62 = vector.extract_strided_slice %bitcast_convert_type3A_24 {offsets = [0, 2432], sizes = [512, 128], strides = [1, 1]} : vector<512x4096xf32> to vector<512x128xf32>
    %min3A_63 = arith.minimumf %min3A_61, %slice3A_62 : vector<512x128xf32>
    %slice3A_64 = vector.extract_strided_slice %bitcast_convert_type3A_24 {offsets = [0, 2560], sizes = [512, 128], strides = [1, 1]} : vector<512x4096xf32> to vector<512x128xf32>
    %min3A_65 = arith.minimumf %min3A_63, %slice3A_64 : vector<512x128xf32>
    %slice3A_66 = vector.extract_strided_slice %bitcast_convert_type3A_24 {offsets = [0, 2688], sizes = [512, 128], strides = [1, 1]} : vector<512x4096xf32> to vector<512x128xf32>
    %min3A_67 = arith.minimumf %min3A_65, %slice3A_66 : vector<512x128xf32>
    %slice3A_68 = vector.extract_strided_slice %bitcast_convert_type3A_24 {offsets = [0, 2816], sizes = [512, 128], strides = [1, 1]} : vector<512x4096xf32> to vector<512x128xf32>
    %min3A_69 = arith.minimumf %min3A_67, %slice3A_68 : vector<512x128xf32>
    %slice3A_70 = vector.extract_strided_slice %bitcast_convert_type3A_24 {offsets = [0, 2944], sizes = [512, 128], strides = [1, 1]} : vector<512x4096xf32> to vector<512x128xf32>
    %min3A_71 = arith.minimumf %min3A_69, %slice3A_70 : vector<512x128xf32>
    %slice3A_72 = vector.extract_strided_slice %bitcast_convert_type3A_24 {offsets = [0, 3072], sizes = [512, 128], strides = [1, 1]} : vector<512x4096xf32> to vector<512x128xf32>
    %min3A_73 = arith.minimumf %min3A_71, %slice3A_72 : vector<512x128xf32>
    %slice3A_74 = vector.extract_strided_slice %bitcast_convert_type3A_24 {offsets = [0, 3200], sizes = [512, 128], strides = [1, 1]} : vector<512x4096xf32> to vector<512x128xf32>
    %min3A_75 = arith.minimumf %min3A_73, %slice3A_74 : vector<512x128xf32>
    %slice3A_76 = vector.extract_strided_slice %bitcast_convert_type3A_24 {offsets = [0, 3328], sizes = [512, 128], strides = [1, 1]} : vector<512x4096xf32> to vector<512x128xf32>
    %min3A_77 = arith.minimumf %min3A_75, %slice3A_76 : vector<512x128xf32>
    %slice3A_78 = vector.extract_strided_slice %bitcast_convert_type3A_24 {offsets = [0, 3456], sizes = [512, 128], strides = [1, 1]} : vector<512x4096xf32> to vector<512x128xf32>
    %min3A_79 = arith.minimumf %min3A_77, %slice3A_78 : vector<512x128xf32>
    %slice3A_80 = vector.extract_strided_slice %bitcast_convert_type3A_24 {offsets = [0, 3584], sizes = [512, 128], strides = [1, 1]} : vector<512x4096xf32> to vector<512x128xf32>
    %min3A_81 = arith.minimumf %min3A_79, %slice3A_80 : vector<512x128xf32>
    %slice3A_82 = vector.extract_strided_slice %bitcast_convert_type3A_24 {offsets = [0, 3712], sizes = [512, 128], strides = [1, 1]} : vector<512x4096xf32> to vector<512x128xf32>
    %min3A_83 = arith.minimumf %min3A_81, %slice3A_82 : vector<512x128xf32>
    %slice3A_84 = vector.extract_strided_slice %bitcast_convert_type3A_24 {offsets = [0, 3840], sizes = [512, 128], strides = [1, 1]} : vector<512x4096xf32> to vector<512x128xf32>
    %min3A_85 = arith.minimumf %min3A_83, %slice3A_84 : vector<512x128xf32>
    %slice3A_86 = vector.extract_strided_slice %bitcast_convert_type3A_24 {offsets = [0, 3968], sizes = [512, 128], strides = [1, 1]} : vector<512x4096xf32> to vector<512x128xf32>
    %min3A_87 = arith.minimumf %min3A_85, %slice3A_86 : vector<512x128xf32>
    %reduce_min3A = arith.constant dense<0x7F800000> : vector<512xf32>
    %reduce_min3A_88 = vector.multi_reduction <minimumf>, %min3A_87, %reduce_min3A [1] : vector<512x128xf32> to vector<512xf32>
    %broadcast_in_dim3A_89 = vector.shape_cast %reduce_min3A_88 : vector<512xf32> to vector<512x1xf32>
    %eq3A = vector.broadcast %broadcast_in_dim3A_89 : vector<512x1xf32> to vector<512x128xf32>
    %eq3A_90 = arith.cmpf oeq, %min3A_87, %eq3A : vector<512x128xf32>
    %jit3A = arith.constant 128 : i32
    %broadcast_in_dim3A_91 = vector.broadcast %jit3A : i32 to vector<512x128xi32>
    %select_n3A = arith.select %eq3A_90, %iota3A, %broadcast_in_dim3A_91 : vector<512x128xi1>, vector<512x128xi32>
    %reduce_min3A_92 = arith.constant dense<2147483647> : vector<512xi32>
    %reduce_min3A_93 = vector.multi_reduction <minsi>, %select_n3A, %reduce_min3A_92 [1] : vector<512x128xi32> to vector<512xi32>
    %broadcast_in_dim3A_94 = vector.shape_cast %reduce_min3A_93 : vector<512xi32> to vector<512x1xi32>
    %bitcast_convert_type3A_95 = tpu.bitcast %broadcast_in_dim3A_89 : vector<512x1xf32> -> vector<512x1xi32>
    %and3A_96 = arith.constant 31 : i32
    %and3A_97 = vector.broadcast %and3A_96 : i32 to vector<512x1xi32>
    %and3A_98 = arith.andi %bitcast_convert_type3A_95, %and3A_97 : vector<512x1xi32>
    %and3A_99 = arith.constant -32 : i32
    %and3A_100 = vector.broadcast %and3A_99 : i32 to vector<512x1xi32>
    %and3A_101 = arith.andi %bitcast_convert_type3A_95, %and3A_100 : vector<512x1xi32>
    %bitcast_convert_type3A_102 = tpu.bitcast %and3A_101 : vector<512x1xi32> -> vector<512x1xf32>
    %mul3A_103 = arith.constant 128 : i32
    %mul3A_104 = vector.broadcast %mul3A_103 : i32 to vector<512x1xi32>
    %mul3A_105 = arith.muli %and3A_98, %mul3A_104 : vector<512x1xi32>
    %add3A_106 = arith.addi %mul3A_105, %broadcast_in_dim3A_94 : vector<512x1xi32>
    %max3A_107 = arith.constant 9.99999996E-13 : f32
    %max3A_108 = vector.broadcast %max3A_107 : f32 to vector<512x1xf32>
    %max3A_109 = arith.maximumf %bitcast_convert_type3A_102, %max3A_108 : vector<512x1xf32>
    %div3A = arith.constant 1.000000e+00 : f32
    %div3A_110 = vector.broadcast %div3A : f32 to vector<512x1xf32>
    %div3A_111 = arith.divf %div3A_110, %max3A_109 : vector<512x1xf32>
    %add3A_112 = arith.addf %broadcast_in_dim3A_26, %div3A_111 : vector<512x1xf32>
    %eq3A_113 = vector.broadcast %broadcast_in_dim3A_89 : vector<512x1xf32> to vector<512x4096xf32>
    %eq3A_114 = arith.cmpf oeq, %bitcast_convert_type3A_24, %eq3A_113 : vector<512x4096xf32>
    %jit3A_115 = arith.constant 0x7F800000 : f32
    %broadcast_in_dim3A_116 = vector.broadcast %jit3A_115 : f32 to vector<512x4096xf32>
    %select_n3A_117 = arith.select %eq3A_114, %broadcast_in_dim3A_116, %bitcast_convert_type3A_24 : vector<512x4096xi1>, vector<512x4096xf32>
    %slice3A_118 = vector.extract_strided_slice %select_n3A_117 {offsets = [0, 0], sizes = [512, 128], strides = [1, 1]} : vector<512x4096xf32> to vector<512x128xf32>
    %slice3A_119 = vector.extract_strided_slice %select_n3A_117 {offsets = [0, 128], sizes = [512, 128], strides = [1, 1]} : vector<512x4096xf32> to vector<512x128xf32>
    %min3A_120 = arith.minimumf %slice3A_118, %slice3A_119 : vector<512x128xf32>
    %slice3A_121 = vector.extract_strided_slice %select_n3A_117 {offsets = [0, 256], sizes = [512, 128], strides = [1, 1]} : vector<512x4096xf32> to vector<512x128xf32>
    %min3A_122 = arith.minimumf %min3A_120, %slice3A_121 : vector<512x128xf32>
    %slice3A_123 = vector.extract_strided_slice %select_n3A_117 {offsets = [0, 384], sizes = [512, 128], strides = [1, 1]} : vector<512x4096xf32> to vector<512x128xf32>
    %min3A_124 = arith.minimumf %min3A_122, %slice3A_123 : vector<512x128xf32>
    %slice3A_125 = vector.extract_strided_slice %select_n3A_117 {offsets = [0, 512], sizes = [512, 128], strides = [1, 1]} : vector<512x4096xf32> to vector<512x128xf32>
    %min3A_126 = arith.minimumf %min3A_124, %slice3A_125 : vector<512x128xf32>
    %slice3A_127 = vector.extract_strided_slice %select_n3A_117 {offsets = [0, 640], sizes = [512, 128], strides = [1, 1]} : vector<512x4096xf32> to vector<512x128xf32>
    %min3A_128 = arith.minimumf %min3A_126, %slice3A_127 : vector<512x128xf32>
    %slice3A_129 = vector.extract_strided_slice %select_n3A_117 {offsets = [0, 768], sizes = [512, 128], strides = [1, 1]} : vector<512x4096xf32> to vector<512x128xf32>
    %min3A_130 = arith.minimumf %min3A_128, %slice3A_129 : vector<512x128xf32>
    %slice3A_131 = vector.extract_strided_slice %select_n3A_117 {offsets = [0, 896], sizes = [512, 128], strides = [1, 1]} : vector<512x4096xf32> to vector<512x128xf32>
    %min3A_132 = arith.minimumf %min3A_130, %slice3A_131 : vector<512x128xf32>
    %slice3A_133 = vector.extract_strided_slice %select_n3A_117 {offsets = [0, 1024], sizes = [512, 128], strides = [1, 1]} : vector<512x4096xf32> to vector<512x128xf32>
    %min3A_134 = arith.minimumf %min3A_132, %slice3A_133 : vector<512x128xf32>
    %slice3A_135 = vector.extract_strided_slice %select_n3A_117 {offsets = [0, 1152], sizes = [512, 128], strides = [1, 1]} : vector<512x4096xf32> to vector<512x128xf32>
    %min3A_136 = arith.minimumf %min3A_134, %slice3A_135 : vector<512x128xf32>
    %slice3A_137 = vector.extract_strided_slice %select_n3A_117 {offsets = [0, 1280], sizes = [512, 128], strides = [1, 1]} : vector<512x4096xf32> to vector<512x128xf32>
    %min3A_138 = arith.minimumf %min3A_136, %slice3A_137 : vector<512x128xf32>
    %slice3A_139 = vector.extract_strided_slice %select_n3A_117 {offsets = [0, 1408], sizes = [512, 128], strides = [1, 1]} : vector<512x4096xf32> to vector<512x128xf32>
    %min3A_140 = arith.minimumf %min3A_138, %slice3A_139 : vector<512x128xf32>
    %slice3A_141 = vector.extract_strided_slice %select_n3A_117 {offsets = [0, 1536], sizes = [512, 128], strides = [1, 1]} : vector<512x4096xf32> to vector<512x128xf32>
    %min3A_142 = arith.minimumf %min3A_140, %slice3A_141 : vector<512x128xf32>
    %slice3A_143 = vector.extract_strided_slice %select_n3A_117 {offsets = [0, 1664], sizes = [512, 128], strides = [1, 1]} : vector<512x4096xf32> to vector<512x128xf32>
    %min3A_144 = arith.minimumf %min3A_142, %slice3A_143 : vector<512x128xf32>
    %slice3A_145 = vector.extract_strided_slice %select_n3A_117 {offsets = [0, 1792], sizes = [512, 128], strides = [1, 1]} : vector<512x4096xf32> to vector<512x128xf32>
    %min3A_146 = arith.minimumf %min3A_144, %slice3A_145 : vector<512x128xf32>
    %slice3A_147 = vector.extract_strided_slice %select_n3A_117 {offsets = [0, 1920], sizes = [512, 128], strides = [1, 1]} : vector<512x4096xf32> to vector<512x128xf32>
    %min3A_148 = arith.minimumf %min3A_146, %slice3A_147 : vector<512x128xf32>
    %slice3A_149 = vector.extract_strided_slice %select_n3A_117 {offsets = [0, 2048], sizes = [512, 128], strides = [1, 1]} : vector<512x4096xf32> to vector<512x128xf32>
    %min3A_150 = arith.minimumf %min3A_148, %slice3A_149 : vector<512x128xf32>
    %slice3A_151 = vector.extract_strided_slice %select_n3A_117 {offsets = [0, 2176], sizes = [512, 128], strides = [1, 1]} : vector<512x4096xf32> to vector<512x128xf32>
    %min3A_152 = arith.minimumf %min3A_150, %slice3A_151 : vector<512x128xf32>
    %slice3A_153 = vector.extract_strided_slice %select_n3A_117 {offsets = [0, 2304], sizes = [512, 128], strides = [1, 1]} : vector<512x4096xf32> to vector<512x128xf32>
    %min3A_154 = arith.minimumf %min3A_152, %slice3A_153 : vector<512x128xf32>
    %slice3A_155 = vector.extract_strided_slice %select_n3A_117 {offsets = [0, 2432], sizes = [512, 128], strides = [1, 1]} : vector<512x4096xf32> to vector<512x128xf32>
    %min3A_156 = arith.minimumf %min3A_154, %slice3A_155 : vector<512x128xf32>
    %slice3A_157 = vector.extract_strided_slice %select_n3A_117 {offsets = [0, 2560], sizes = [512, 128], strides = [1, 1]} : vector<512x4096xf32> to vector<512x128xf32>
    %min3A_158 = arith.minimumf %min3A_156, %slice3A_157 : vector<512x128xf32>
    %slice3A_159 = vector.extract_strided_slice %select_n3A_117 {offsets = [0, 2688], sizes = [512, 128], strides = [1, 1]} : vector<512x4096xf32> to vector<512x128xf32>
    %min3A_160 = arith.minimumf %min3A_158, %slice3A_159 : vector<512x128xf32>
    %slice3A_161 = vector.extract_strided_slice %select_n3A_117 {offsets = [0, 2816], sizes = [512, 128], strides = [1, 1]} : vector<512x4096xf32> to vector<512x128xf32>
    %min3A_162 = arith.minimumf %min3A_160, %slice3A_161 : vector<512x128xf32>
    %slice3A_163 = vector.extract_strided_slice %select_n3A_117 {offsets = [0, 2944], sizes = [512, 128], strides = [1, 1]} : vector<512x4096xf32> to vector<512x128xf32>
    %min3A_164 = arith.minimumf %min3A_162, %slice3A_163 : vector<512x128xf32>
    %slice3A_165 = vector.extract_strided_slice %select_n3A_117 {offsets = [0, 3072], sizes = [512, 128], strides = [1, 1]} : vector<512x4096xf32> to vector<512x128xf32>
    %min3A_166 = arith.minimumf %min3A_164, %slice3A_165 : vector<512x128xf32>
    %slice3A_167 = vector.extract_strided_slice %select_n3A_117 {offsets = [0, 3200], sizes = [512, 128], strides = [1, 1]} : vector<512x4096xf32> to vector<512x128xf32>
    %min3A_168 = arith.minimumf %min3A_166, %slice3A_167 : vector<512x128xf32>
    %slice3A_169 = vector.extract_strided_slice %select_n3A_117 {offsets = [0, 3328], sizes = [512, 128], strides = [1, 1]} : vector<512x4096xf32> to vector<512x128xf32>
    %min3A_170 = arith.minimumf %min3A_168, %slice3A_169 : vector<512x128xf32>
    %slice3A_171 = vector.extract_strided_slice %select_n3A_117 {offsets = [0, 3456], sizes = [512, 128], strides = [1, 1]} : vector<512x4096xf32> to vector<512x128xf32>
    %min3A_172 = arith.minimumf %min3A_170, %slice3A_171 : vector<512x128xf32>
    %slice3A_173 = vector.extract_strided_slice %select_n3A_117 {offsets = [0, 3584], sizes = [512, 128], strides = [1, 1]} : vector<512x4096xf32> to vector<512x128xf32>
    %min3A_174 = arith.minimumf %min3A_172, %slice3A_173 : vector<512x128xf32>
    %slice3A_175 = vector.extract_strided_slice %select_n3A_117 {offsets = [0, 3712], sizes = [512, 128], strides = [1, 1]} : vector<512x4096xf32> to vector<512x128xf32>
    %min3A_176 = arith.minimumf %min3A_174, %slice3A_175 : vector<512x128xf32>
    %slice3A_177 = vector.extract_strided_slice %select_n3A_117 {offsets = [0, 3840], sizes = [512, 128], strides = [1, 1]} : vector<512x4096xf32> to vector<512x128xf32>
    %min3A_178 = arith.minimumf %min3A_176, %slice3A_177 : vector<512x128xf32>
    %slice3A_179 = vector.extract_strided_slice %select_n3A_117 {offsets = [0, 3968], sizes = [512, 128], strides = [1, 1]} : vector<512x4096xf32> to vector<512x128xf32>
    %min3A_180 = arith.minimumf %min3A_178, %slice3A_179 : vector<512x128xf32>
    %reduce_min3A_181 = arith.constant dense<0x7F800000> : vector<512xf32>
    %reduce_min3A_182 = vector.multi_reduction <minimumf>, %min3A_180, %reduce_min3A_181 [1] : vector<512x128xf32> to vector<512xf32>
    %broadcast_in_dim3A_183 = vector.shape_cast %reduce_min3A_182 : vector<512xf32> to vector<512x1xf32>
    %eq3A_184 = vector.broadcast %broadcast_in_dim3A_183 : vector<512x1xf32> to vector<512x128xf32>
    %eq3A_185 = arith.cmpf oeq, %min3A_180, %eq3A_184 : vector<512x128xf32>
    %jit3A_186 = arith.constant 128 : i32
    %broadcast_in_dim3A_187 = vector.broadcast %jit3A_186 : i32 to vector<512x128xi32>
    %select_n3A_188 = arith.select %eq3A_185, %iota3A, %broadcast_in_dim3A_187 : vector<512x128xi1>, vector<512x128xi32>
    %reduce_min3A_189 = arith.constant dense<2147483647> : vector<512xi32>
    %reduce_min3A_190 = vector.multi_reduction <minsi>, %select_n3A_188, %reduce_min3A_189 [1] : vector<512x128xi32> to vector<512xi32>
    %broadcast_in_dim3A_191 = vector.shape_cast %reduce_min3A_190 : vector<512xi32> to vector<512x1xi32>
    %bitcast_convert_type3A_192 = tpu.bitcast %broadcast_in_dim3A_183 : vector<512x1xf32> -> vector<512x1xi32>
    %and3A_193 = arith.constant 31 : i32
    %and3A_194 = vector.broadcast %and3A_193 : i32 to vector<512x1xi32>
    %and3A_195 = arith.andi %bitcast_convert_type3A_192, %and3A_194 : vector<512x1xi32>
    %and3A_196 = arith.constant -32 : i32
    %and3A_197 = vector.broadcast %and3A_196 : i32 to vector<512x1xi32>
    %and3A_198 = arith.andi %bitcast_convert_type3A_192, %and3A_197 : vector<512x1xi32>
    %bitcast_convert_type3A_199 = tpu.bitcast %and3A_198 : vector<512x1xi32> -> vector<512x1xf32>
    %mul3A_200 = arith.constant 128 : i32
    %mul3A_201 = vector.broadcast %mul3A_200 : i32 to vector<512x1xi32>
    %mul3A_202 = arith.muli %and3A_195, %mul3A_201 : vector<512x1xi32>
    %add3A_203 = arith.addi %mul3A_202, %broadcast_in_dim3A_191 : vector<512x1xi32>
    %max3A_204 = arith.constant 9.99999996E-13 : f32
    %max3A_205 = vector.broadcast %max3A_204 : f32 to vector<512x1xf32>
    %max3A_206 = arith.maximumf %bitcast_convert_type3A_199, %max3A_205 : vector<512x1xf32>
    %div3A_207 = arith.constant 1.000000e+00 : f32
    %div3A_208 = vector.broadcast %div3A_207 : f32 to vector<512x1xf32>
    %div3A_209 = arith.divf %div3A_208, %max3A_206 : vector<512x1xf32>
    %add3A_210 = arith.addf %add3A_112, %div3A_209 : vector<512x1xf32>
    %eq3A_211 = vector.broadcast %broadcast_in_dim3A_183 : vector<512x1xf32> to vector<512x4096xf32>
    %eq3A_212 = arith.cmpf oeq, %select_n3A_117, %eq3A_211 : vector<512x4096xf32>
    %jit3A_213 = arith.constant 0x7F800000 : f32
    %broadcast_in_dim3A_214 = vector.broadcast %jit3A_213 : f32 to vector<512x4096xf32>
    %select_n3A_215 = arith.select %eq3A_212, %broadcast_in_dim3A_214, %select_n3A_117 : vector<512x4096xi1>, vector<512x4096xf32>
    %slice3A_216 = vector.extract_strided_slice %select_n3A_215 {offsets = [0, 0], sizes = [512, 128], strides = [1, 1]} : vector<512x4096xf32> to vector<512x128xf32>
    %slice3A_217 = vector.extract_strided_slice %select_n3A_215 {offsets = [0, 128], sizes = [512, 128], strides = [1, 1]} : vector<512x4096xf32> to vector<512x128xf32>
    %min3A_218 = arith.minimumf %slice3A_216, %slice3A_217 : vector<512x128xf32>
    %slice3A_219 = vector.extract_strided_slice %select_n3A_215 {offsets = [0, 256], sizes = [512, 128], strides = [1, 1]} : vector<512x4096xf32> to vector<512x128xf32>
    %min3A_220 = arith.minimumf %min3A_218, %slice3A_219 : vector<512x128xf32>
    %slice3A_221 = vector.extract_strided_slice %select_n3A_215 {offsets = [0, 384], sizes = [512, 128], strides = [1, 1]} : vector<512x4096xf32> to vector<512x128xf32>
    %min3A_222 = arith.minimumf %min3A_220, %slice3A_221 : vector<512x128xf32>
    %slice3A_223 = vector.extract_strided_slice %select_n3A_215 {offsets = [0, 512], sizes = [512, 128], strides = [1, 1]} : vector<512x4096xf32> to vector<512x128xf32>
    %min3A_224 = arith.minimumf %min3A_222, %slice3A_223 : vector<512x128xf32>
    %slice3A_225 = vector.extract_strided_slice %select_n3A_215 {offsets = [0, 640], sizes = [512, 128], strides = [1, 1]} : vector<512x4096xf32> to vector<512x128xf32>
    %min3A_226 = arith.minimumf %min3A_224, %slice3A_225 : vector<512x128xf32>
    %slice3A_227 = vector.extract_strided_slice %select_n3A_215 {offsets = [0, 768], sizes = [512, 128], strides = [1, 1]} : vector<512x4096xf32> to vector<512x128xf32>
    %min3A_228 = arith.minimumf %min3A_226, %slice3A_227 : vector<512x128xf32>
    %slice3A_229 = vector.extract_strided_slice %select_n3A_215 {offsets = [0, 896], sizes = [512, 128], strides = [1, 1]} : vector<512x4096xf32> to vector<512x128xf32>
    %min3A_230 = arith.minimumf %min3A_228, %slice3A_229 : vector<512x128xf32>
    %slice3A_231 = vector.extract_strided_slice %select_n3A_215 {offsets = [0, 1024], sizes = [512, 128], strides = [1, 1]} : vector<512x4096xf32> to vector<512x128xf32>
    %min3A_232 = arith.minimumf %min3A_230, %slice3A_231 : vector<512x128xf32>
    %slice3A_233 = vector.extract_strided_slice %select_n3A_215 {offsets = [0, 1152], sizes = [512, 128], strides = [1, 1]} : vector<512x4096xf32> to vector<512x128xf32>
    %min3A_234 = arith.minimumf %min3A_232, %slice3A_233 : vector<512x128xf32>
    %slice3A_235 = vector.extract_strided_slice %select_n3A_215 {offsets = [0, 1280], sizes = [512, 128], strides = [1, 1]} : vector<512x4096xf32> to vector<512x128xf32>
    %min3A_236 = arith.minimumf %min3A_234, %slice3A_235 : vector<512x128xf32>
    %slice3A_237 = vector.extract_strided_slice %select_n3A_215 {offsets = [0, 1408], sizes = [512, 128], strides = [1, 1]} : vector<512x4096xf32> to vector<512x128xf32>
    %min3A_238 = arith.minimumf %min3A_236, %slice3A_237 : vector<512x128xf32>
    %slice3A_239 = vector.extract_strided_slice %select_n3A_215 {offsets = [0, 1536], sizes = [512, 128], strides = [1, 1]} : vector<512x4096xf32> to vector<512x128xf32>
    %min3A_240 = arith.minimumf %min3A_238, %slice3A_239 : vector<512x128xf32>
    %slice3A_241 = vector.extract_strided_slice %select_n3A_215 {offsets = [0, 1664], sizes = [512, 128], strides = [1, 1]} : vector<512x4096xf32> to vector<512x128xf32>
    %min3A_242 = arith.minimumf %min3A_240, %slice3A_241 : vector<512x128xf32>
    %slice3A_243 = vector.extract_strided_slice %select_n3A_215 {offsets = [0, 1792], sizes = [512, 128], strides = [1, 1]} : vector<512x4096xf32> to vector<512x128xf32>
    %min3A_244 = arith.minimumf %min3A_242, %slice3A_243 : vector<512x128xf32>
    %slice3A_245 = vector.extract_strided_slice %select_n3A_215 {offsets = [0, 1920], sizes = [512, 128], strides = [1, 1]} : vector<512x4096xf32> to vector<512x128xf32>
    %min3A_246 = arith.minimumf %min3A_244, %slice3A_245 : vector<512x128xf32>
    %slice3A_247 = vector.extract_strided_slice %select_n3A_215 {offsets = [0, 2048], sizes = [512, 128], strides = [1, 1]} : vector<512x4096xf32> to vector<512x128xf32>
    %min3A_248 = arith.minimumf %min3A_246, %slice3A_247 : vector<512x128xf32>
    %slice3A_249 = vector.extract_strided_slice %select_n3A_215 {offsets = [0, 2176], sizes = [512, 128], strides = [1, 1]} : vector<512x4096xf32> to vector<512x128xf32>
    %min3A_250 = arith.minimumf %min3A_248, %slice3A_249 : vector<512x128xf32>
    %slice3A_251 = vector.extract_strided_slice %select_n3A_215 {offsets = [0, 2304], sizes = [512, 128], strides = [1, 1]} : vector<512x4096xf32> to vector<512x128xf32>
    %min3A_252 = arith.minimumf %min3A_250, %slice3A_251 : vector<512x128xf32>
    %slice3A_253 = vector.extract_strided_slice %select_n3A_215 {offsets = [0, 2432], sizes = [512, 128], strides = [1, 1]} : vector<512x4096xf32> to vector<512x128xf32>
    %min3A_254 = arith.minimumf %min3A_252, %slice3A_253 : vector<512x128xf32>
    %slice3A_255 = vector.extract_strided_slice %select_n3A_215 {offsets = [0, 2560], sizes = [512, 128], strides = [1, 1]} : vector<512x4096xf32> to vector<512x128xf32>
    %min3A_256 = arith.minimumf %min3A_254, %slice3A_255 : vector<512x128xf32>
    %slice3A_257 = vector.extract_strided_slice %select_n3A_215 {offsets = [0, 2688], sizes = [512, 128], strides = [1, 1]} : vector<512x4096xf32> to vector<512x128xf32>
    %min3A_258 = arith.minimumf %min3A_256, %slice3A_257 : vector<512x128xf32>
    %slice3A_259 = vector.extract_strided_slice %select_n3A_215 {offsets = [0, 2816], sizes = [512, 128], strides = [1, 1]} : vector<512x4096xf32> to vector<512x128xf32>
    %min3A_260 = arith.minimumf %min3A_258, %slice3A_259 : vector<512x128xf32>
    %slice3A_261 = vector.extract_strided_slice %select_n3A_215 {offsets = [0, 2944], sizes = [512, 128], strides = [1, 1]} : vector<512x4096xf32> to vector<512x128xf32>
    %min3A_262 = arith.minimumf %min3A_260, %slice3A_261 : vector<512x128xf32>
    %slice3A_263 = vector.extract_strided_slice %select_n3A_215 {offsets = [0, 3072], sizes = [512, 128], strides = [1, 1]} : vector<512x4096xf32> to vector<512x128xf32>
    %min3A_264 = arith.minimumf %min3A_262, %slice3A_263 : vector<512x128xf32>
    %slice3A_265 = vector.extract_strided_slice %select_n3A_215 {offsets = [0, 3200], sizes = [512, 128], strides = [1, 1]} : vector<512x4096xf32> to vector<512x128xf32>
    %min3A_266 = arith.minimumf %min3A_264, %slice3A_265 : vector<512x128xf32>
    %slice3A_267 = vector.extract_strided_slice %select_n3A_215 {offsets = [0, 3328], sizes = [512, 128], strides = [1, 1]} : vector<512x4096xf32> to vector<512x128xf32>
    %min3A_268 = arith.minimumf %min3A_266, %slice3A_267 : vector<512x128xf32>
    %slice3A_269 = vector.extract_strided_slice %select_n3A_215 {offsets = [0, 3456], sizes = [512, 128], strides = [1, 1]} : vector<512x4096xf32> to vector<512x128xf32>
    %min3A_270 = arith.minimumf %min3A_268, %slice3A_269 : vector<512x128xf32>
    %slice3A_271 = vector.extract_strided_slice %select_n3A_215 {offsets = [0, 3584], sizes = [512, 128], strides = [1, 1]} : vector<512x4096xf32> to vector<512x128xf32>
    %min3A_272 = arith.minimumf %min3A_270, %slice3A_271 : vector<512x128xf32>
    %slice3A_273 = vector.extract_strided_slice %select_n3A_215 {offsets = [0, 3712], sizes = [512, 128], strides = [1, 1]} : vector<512x4096xf32> to vector<512x128xf32>
    %min3A_274 = arith.minimumf %min3A_272, %slice3A_273 : vector<512x128xf32>
    %slice3A_275 = vector.extract_strided_slice %select_n3A_215 {offsets = [0, 3840], sizes = [512, 128], strides = [1, 1]} : vector<512x4096xf32> to vector<512x128xf32>
    %min3A_276 = arith.minimumf %min3A_274, %slice3A_275 : vector<512x128xf32>
    %slice3A_277 = vector.extract_strided_slice %select_n3A_215 {offsets = [0, 3968], sizes = [512, 128], strides = [1, 1]} : vector<512x4096xf32> to vector<512x128xf32>
    %min3A_278 = arith.minimumf %min3A_276, %slice3A_277 : vector<512x128xf32>
    %reduce_min3A_279 = arith.constant dense<0x7F800000> : vector<512xf32>
    %reduce_min3A_280 = vector.multi_reduction <minimumf>, %min3A_278, %reduce_min3A_279 [1] : vector<512x128xf32> to vector<512xf32>
    %broadcast_in_dim3A_281 = vector.shape_cast %reduce_min3A_280 : vector<512xf32> to vector<512x1xf32>
    %eq3A_282 = vector.broadcast %broadcast_in_dim3A_281 : vector<512x1xf32> to vector<512x128xf32>
    %eq3A_283 = arith.cmpf oeq, %min3A_278, %eq3A_282 : vector<512x128xf32>
    %jit3A_284 = arith.constant 128 : i32
    %broadcast_in_dim3A_285 = vector.broadcast %jit3A_284 : i32 to vector<512x128xi32>
    %select_n3A_286 = arith.select %eq3A_283, %iota3A, %broadcast_in_dim3A_285 : vector<512x128xi1>, vector<512x128xi32>
    %reduce_min3A_287 = arith.constant dense<2147483647> : vector<512xi32>
    %reduce_min3A_288 = vector.multi_reduction <minsi>, %select_n3A_286, %reduce_min3A_287 [1] : vector<512x128xi32> to vector<512xi32>
    %broadcast_in_dim3A_289 = vector.shape_cast %reduce_min3A_288 : vector<512xi32> to vector<512x1xi32>
    %bitcast_convert_type3A_290 = tpu.bitcast %broadcast_in_dim3A_281 : vector<512x1xf32> -> vector<512x1xi32>
    %and3A_291 = arith.constant 31 : i32
    %and3A_292 = vector.broadcast %and3A_291 : i32 to vector<512x1xi32>
    %and3A_293 = arith.andi %bitcast_convert_type3A_290, %and3A_292 : vector<512x1xi32>
    %and3A_294 = arith.constant -32 : i32
    %and3A_295 = vector.broadcast %and3A_294 : i32 to vector<512x1xi32>
    %and3A_296 = arith.andi %bitcast_convert_type3A_290, %and3A_295 : vector<512x1xi32>
    %bitcast_convert_type3A_297 = tpu.bitcast %and3A_296 : vector<512x1xi32> -> vector<512x1xf32>
    %mul3A_298 = arith.constant 128 : i32
    %mul3A_299 = vector.broadcast %mul3A_298 : i32 to vector<512x1xi32>
    %mul3A_300 = arith.muli %and3A_293, %mul3A_299 : vector<512x1xi32>
    %add3A_301 = arith.addi %mul3A_300, %broadcast_in_dim3A_289 : vector<512x1xi32>
    %max3A_302 = arith.constant 9.99999996E-13 : f32
    %max3A_303 = vector.broadcast %max3A_302 : f32 to vector<512x1xf32>
    %max3A_304 = arith.maximumf %bitcast_convert_type3A_297, %max3A_303 : vector<512x1xf32>
    %div3A_305 = arith.constant 1.000000e+00 : f32
    %div3A_306 = vector.broadcast %div3A_305 : f32 to vector<512x1xf32>
    %div3A_307 = arith.divf %div3A_306, %max3A_304 : vector<512x1xf32>
    %add3A_308 = arith.addf %add3A_210, %div3A_307 : vector<512x1xf32>
    %div3A_309 = arith.constant 1.000000e+00 : f32
    %div3A_310 = vector.broadcast %div3A_309 : f32 to vector<512x1xf32>
    %div3A_311 = arith.divf %div3A_310, %add3A_308 : vector<512x1xf32>
    %concatenate3A = tpu.concatenate %add3A_106, %add3A_203, %add3A_301 in 1 : vector<512x1xi32>, vector<512x1xi32>, vector<512x1xi32> -> vector<512x3xi32>
    %swap3A = arith.constant 0 : index
    %swap3A_312 = arith.constant 0 : index
    %swap3A_313 = vector.load %arg4[%swap3A, %swap3A_312] : memref<512x3xi32, #tpu.memory_space<vmem>>, vector<512x3xi32>
    tpu.vector_store %arg4[%swap3A, %swap3A_312], %concatenate3A {strides = array<i32>} : memref<512x3xi32, #tpu.memory_space<vmem>>, vector<512x3xi32>,
    %mul3A_314 = arith.mulf %div3A_111, %div3A_311 : vector<512x1xf32>
    %mul3A_315 = arith.mulf %div3A_209, %div3A_311 : vector<512x1xf32>
    %mul3A_316 = arith.mulf %div3A_307, %div3A_311 : vector<512x1xf32>
    %concatenate3A_317 = tpu.concatenate %mul3A_314, %mul3A_315, %mul3A_316 in 1 : vector<512x1xf32>, vector<512x1xf32>, vector<512x1xf32> -> vector<512x3xf32>
    %swap3A_318 = arith.constant 0 : index
    %swap3A_319 = arith.constant 0 : index
    %swap3A_320 = vector.load %arg5[%swap3A_318, %swap3A_319] : memref<512x3xf32, #tpu.memory_space<vmem>>, vector<512x3xf32>
    tpu.vector_store %arg5[%swap3A_318, %swap3A_319], %concatenate3A_317 {strides = array<i32>} : memref<512x3xf32, #tpu.memory_space<vmem>>, vector<512x3xf32>,
    return
  }
  func.func @transform_0(%arg0: i32) -> (i32, i32) {
    %c0_i32 = arith.constant 0 : i32
    %c0_i32_0 = arith.constant 0 : i32
    return %arg0, %c0_i32 : i32, i32
  }
  func.func @transform_1(%arg0: i32) -> (i32, i32) {
    %c0_i32 = arith.constant 0 : i32
    %c0_i32_0 = arith.constant 0 : i32
    %c0_i32_1 = arith.constant 0 : i32
    return %c0_i32, %c0_i32_0 : i32, i32
  }
  func.func @transform_2(%arg0: i32) -> (i32, i32) {
    %c0_i32 = arith.constant 0 : i32
    %c0_i32_0 = arith.constant 0 : i32
    %c0_i32_1 = arith.constant 0 : i32
    return %c0_i32, %c0_i32_0 : i32, i32
  }
  func.func @transform_3(%arg0: i32) -> (i32, i32) {
    %c0_i32 = arith.constant 0 : i32
    %c0_i32_0 = arith.constant 0 : i32
    return %arg0, %c0_i32 : i32, i32
  }
  func.func @transform_4(%arg0: i32) -> (i32, i32) {
    %c0_i32 = arith.constant 0 : i32
    %c0_i32_0 = arith.constant 0 : i32
    return %arg0, %c0_i32 : i32, i32
  }
}

module attributes {stable_mosaic.version = 14 : i64} {
  func.func @_mlp_body(%arg0: i32, %arg1: i32, %arg2: memref<512x3xf32, #tpu.memory_space<vmem>>, %arg3: memref<512x64xf32, #tpu.memory_space<vmem>>, %arg4: memref<512x128xf32, #tpu.memory_space<vmem>>, %arg5: memref<512x128xf32, #tpu.memory_space<vmem>>, %arg6: memref<512x128xf32, #tpu.memory_space<vmem>>, %arg7: memref<512x3xf32, #tpu.memory_space<vmem>>, %arg8: memref<3x128xf32, #tpu.memory_space<vmem>>, %arg9: memref<64x128xf32, #tpu.memory_space<vmem>>, %arg10: memref<64x128xf32, #tpu.memory_space<vmem>>, %arg11: memref<1x128xf32, #tpu.memory_space<vmem>>, %arg12: memref<1x128xf32, #tpu.memory_space<vmem>>, %arg13: memref<1x128xf32, #tpu.memory_space<vmem>>, %arg14: memref<128x128xf32, #tpu.memory_space<vmem>>, %arg15: memref<1x128xf32, #tpu.memory_space<vmem>>, %arg16: memref<1x128xf32, #tpu.memory_space<vmem>>, %arg17: memref<1x128xf32, #tpu.memory_space<vmem>>, %arg18: memref<512x128xf32, #tpu.memory_space<vmem>>, %arg19: memref<16384x128xf32, #tpu.memory_space<vmem>>, %arg20: memref<16384x128xf32, #tpu.memory_space<vmem>>, %arg21: memref<8x128xf32, #tpu.memory_space<vmem>>) attributes {dimension_semantics = [#tpu.dimension_semantics<arbitrary>, #tpu.dimension_semantics<arbitrary>], iteration_bounds = array<i64: 3, 32>, scalar_prefetch = 0 : i64, scratch_operands = 3 : i64, tpu.core_type = #tpu.core_type<tc>, window_params = [{transform_indices = @transform_0, window_bounds = array<i64: 512, 3>}, {transform_indices = @transform_1, window_bounds = array<i64: 512, 64>}, {transform_indices = @transform_2, window_bounds = array<i64: 512, 128>}, {transform_indices = @transform_3, window_bounds = array<i64: 512, 128>}, {transform_indices = @transform_4, window_bounds = array<i64: 512, 128>}, {transform_indices = @transform_5, window_bounds = array<i64: 512, 3>}, {pipeline_mode = #tpu.pipeline_mode<synchronous>, transform_indices = @transform_6, window_bounds = array<i64: 3, 128>}, {pipeline_mode = #tpu.pipeline_mode<synchronous>, transform_indices = @transform_7, window_bounds = array<i64: 64, 128>}, {pipeline_mode = #tpu.pipeline_mode<synchronous>, transform_indices = @transform_8, window_bounds = array<i64: 64, 128>}, {pipeline_mode = #tpu.pipeline_mode<synchronous>, transform_indices = @transform_9, window_bounds = array<i64: 1, 128>}, {pipeline_mode = #tpu.pipeline_mode<synchronous>, transform_indices = @transform_10, window_bounds = array<i64: 1, 128>}, {pipeline_mode = #tpu.pipeline_mode<synchronous>, transform_indices = @transform_11, window_bounds = array<i64: 1, 128>}, {pipeline_mode = #tpu.pipeline_mode<synchronous>, transform_indices = @transform_12, window_bounds = array<i64: 128, 128>}, {pipeline_mode = #tpu.pipeline_mode<synchronous>, transform_indices = @transform_13, window_bounds = array<i64: 1, 128>}, {pipeline_mode = #tpu.pipeline_mode<synchronous>, transform_indices = @transform_14, window_bounds = array<i64: 1, 128>}, {pipeline_mode = #tpu.pipeline_mode<synchronous>, transform_indices = @transform_15, window_bounds = array<i64: 1, 128>}, {transform_indices = @transform_16, window_bounds = array<i64: 512, 128>}]} {
    %mul3A = arith.constant 512 : i32
    %mul3A_0 = arith.muli %arg1, %mul3A : i32
    %eq3A = arith.constant 0 : i32
    %eq3A_1 = arith.cmpi eq, %arg0, %eq3A : i32
    %eq3A_2 = arith.constant 0 : i32
    %eq3A_3 = arith.cmpi eq, %arg1, %eq3A_2 : i32
    %and3A = arith.andi %eq3A_1, %eq3A_3 : i1
    %convert_element_type3A = arith.extui %and3A : i1 to i32
    %cond3A = arith.constant 0 : i32
    %cond3A_4 = arith.cmpi ne, %convert_element_type3A, %cond3A : i32
    scf.if %cond3A_4 {
      %broadcast_in_dim3A = arith.constant 0.000000e+00 : f32
      %broadcast_in_dim3A_20 = vector.broadcast %broadcast_in_dim3A : f32 to vector<8x128xf32>
      %swap3A = arith.constant 0 : index
      %swap3A_21 = arith.constant 0 : index
      %swap3A_22 = vector.load %arg21[%swap3A, %swap3A_21] : memref<8x128xf32, #tpu.memory_space<vmem>>, vector<8x128xf32>
      tpu.vector_store %arg21[%swap3A, %swap3A_21], %broadcast_in_dim3A_20 {strides = array<i32>} : memref<8x128xf32, #tpu.memory_space<vmem>>, vector<8x128xf32>,
    } else {
    }
    %eq3A_5 = arith.constant 0 : i32
    %eq3A_6 = arith.cmpi eq, %arg0, %eq3A_5 : i32
    %convert_element_type3A_7 = arith.extui %eq3A_6 : i1 to i32
    %cond3A_8 = arith.constant 0 : i32
    %cond3A_9 = arith.cmpi ne, %convert_element_type3A_7, %cond3A_8 : i32
    scf.if %cond3A_9 {
      %get3A = arith.constant 0 : index
      %get3A_20 = arith.constant 0 : index
      %get3A_21 = vector.load %arg7[%get3A, %get3A_20] : memref<512x3xf32, #tpu.memory_space<vmem>>, vector<512x3xf32>
      %get3A_22 = arith.constant 0 : index
      %get3A_23 = arith.constant 0 : index
      %get3A_24 = vector.load %arg4[%get3A_22, %get3A_23] : memref<512x128xf32, #tpu.memory_space<vmem>>, vector<512x64xf32>
      %slice3A = vector.extract_strided_slice %get3A_21 {offsets = [0, 0], sizes = [512, 1], strides = [1, 1]} : vector<512x3xf32> to vector<512x1xf32>
      %mul3A_25 = vector.broadcast %slice3A : vector<512x1xf32> to vector<512x64xf32>
      %mul3A_26 = arith.mulf %get3A_24, %mul3A_25 : vector<512x64xf32>
      %get3A_27 = arith.constant 0 : index
      %get3A_28 = arith.constant 0 : index
      %get3A_29 = vector.load %arg5[%get3A_27, %get3A_28] : memref<512x128xf32, #tpu.memory_space<vmem>>, vector<512x64xf32>
      %slice3A_30 = vector.extract_strided_slice %get3A_21 {offsets = [0, 1], sizes = [512, 1], strides = [1, 1]} : vector<512x3xf32> to vector<512x1xf32>
      %mul3A_31 = vector.broadcast %slice3A_30 : vector<512x1xf32> to vector<512x64xf32>
      %mul3A_32 = arith.mulf %get3A_29, %mul3A_31 : vector<512x64xf32>
      %add3A = arith.addf %mul3A_26, %mul3A_32 : vector<512x64xf32>
      %get3A_33 = arith.constant 0 : index
      %get3A_34 = arith.constant 0 : index
      %get3A_35 = vector.load %arg6[%get3A_33, %get3A_34] : memref<512x128xf32, #tpu.memory_space<vmem>>, vector<512x64xf32>
      %slice3A_36 = vector.extract_strided_slice %get3A_21 {offsets = [0, 2], sizes = [512, 1], strides = [1, 1]} : vector<512x3xf32> to vector<512x1xf32>
      %mul3A_37 = vector.broadcast %slice3A_36 : vector<512x1xf32> to vector<512x64xf32>
      %mul3A_38 = arith.mulf %get3A_35, %mul3A_37 : vector<512x64xf32>
      %add3A_39 = arith.addf %add3A, %mul3A_38 : vector<512x64xf32>
      %get3A_40 = arith.constant 0 : index
      %get3A_41 = arith.constant 0 : index
      %get3A_42 = vector.load %arg2[%get3A_40, %get3A_41] : memref<512x3xf32, #tpu.memory_space<vmem>>, vector<512x3xf32>
      %get3A_43 = arith.constant 0 : index
      %get3A_44 = arith.constant 0 : index
      %get3A_45 = vector.load %arg8[%get3A_43, %get3A_44] : memref<3x128xf32, #tpu.memory_space<vmem>>, vector<3x128xf32>
      %dot_general3A = arith.constant dense<0.000000e+00> : vector<512x128xf32>
      %dot_general3A_46 = tpu.matmul %get3A_42, %get3A_45, %dot_general3A {dimension_numbers = #tpu.dot_dimension_numbers<[1], [0], [0], [1], [0, 0, 1, 1], [], []>, transpose_lhs_hint = false} : vector<512x3xf32>, vector<3x128xf32>, vector<512x128xf32> -> vector<512x128xf32>
      %get3A_47 = arith.constant 0 : index
      %get3A_48 = arith.constant 0 : index
      %get3A_49 = vector.load %arg3[%get3A_47, %get3A_48] : memref<512x64xf32, #tpu.memory_space<vmem>>, vector<512x64xf32>
      %get3A_50 = arith.constant 0 : index
      %get3A_51 = arith.constant 0 : index
      %get3A_52 = vector.load %arg9[%get3A_50, %get3A_51] : memref<64x128xf32, #tpu.memory_space<vmem>>, vector<64x128xf32>
      %dot_general3A_53 = arith.constant dense<0.000000e+00> : vector<512x128xf32>
      %dot_general3A_54 = tpu.matmul %get3A_49, %get3A_52, %dot_general3A_53 {dimension_numbers = #tpu.dot_dimension_numbers<[1], [0], [0], [1], [0, 0, 1, 1], [], []>, transpose_lhs_hint = false} : vector<512x64xf32>, vector<64x128xf32>, vector<512x128xf32> -> vector<512x128xf32>
      %add3A_55 = arith.addf %dot_general3A_46, %dot_general3A_54 : vector<512x128xf32>
      %get3A_56 = arith.constant 0 : index
      %get3A_57 = arith.constant 0 : index
      %get3A_58 = vector.load %arg10[%get3A_56, %get3A_57] : memref<64x128xf32, #tpu.memory_space<vmem>>, vector<64x128xf32>
      %dot_general3A_59 = arith.constant dense<0.000000e+00> : vector<512x128xf32>
      %dot_general3A_60 = tpu.matmul %add3A_39, %get3A_58, %dot_general3A_59 {dimension_numbers = #tpu.dot_dimension_numbers<[1], [0], [0], [1], [0, 0, 1, 1], [], []>, transpose_lhs_hint = false} : vector<512x64xf32>, vector<64x128xf32>, vector<512x128xf32> -> vector<512x128xf32>
      %add3A_61 = arith.addf %add3A_55, %dot_general3A_60 : vector<512x128xf32>
      %get3A_62 = arith.constant 0 : index
      %get3A_63 = arith.constant 0 : index
      %get3A_64 = vector.load %arg11[%get3A_62, %get3A_63] : memref<1x128xf32, #tpu.memory_space<vmem>>, vector<1x128xf32>
      %add3A_65 = vector.broadcast %get3A_64 : vector<1x128xf32> to vector<512x128xf32>
      %add3A_66 = arith.addf %add3A_61, %add3A_65 : vector<512x128xf32>
      %swap3A = arith.index_cast %mul3A_0 : i32 to index
      %swap3A_67 = arith.constant 0 : index
      %swap3A_68 = vector.load %arg19[%swap3A, %swap3A_67] : memref<16384x128xf32, #tpu.memory_space<vmem>>, vector<512x128xf32>
      tpu.vector_store %arg19[%swap3A, %swap3A_67], %add3A_66 {strides = array<i32>} : memref<16384x128xf32, #tpu.memory_space<vmem>>, vector<512x128xf32>,
      %get3A_69 = arith.constant 0 : index
      %get3A_70 = arith.constant 0 : index
      %get3A_71 = vector.load %arg21[%get3A_69, %get3A_70] : memref<8x128xf32, #tpu.memory_space<vmem>>, vector<1x128xf32>
      %reduce_sum3A = arith.constant dense<0.000000e+00> : vector<128xf32>
      %reduce_sum3A_72 = vector.multi_reduction <add>, %add3A_66, %reduce_sum3A [0] : vector<512x128xf32> to vector<128xf32>
      %broadcast_in_dim3A = vector.shape_cast %reduce_sum3A_72 : vector<128xf32> to vector<1x128xf32>
      %add3A_73 = arith.addf %get3A_71, %broadcast_in_dim3A : vector<1x128xf32>
      %swap3A_74 = arith.constant 0 : index
      %swap3A_75 = arith.constant 0 : index
      %swap3A_76 = vector.load %arg21[%swap3A_74, %swap3A_75] : memref<8x128xf32, #tpu.memory_space<vmem>>, vector<1x128xf32>
      tpu.vector_store %arg21[%swap3A_74, %swap3A_75], %add3A_73 {strides = array<i32>} : memref<8x128xf32, #tpu.memory_space<vmem>>, vector<1x128xf32>,
      %get3A_77 = arith.constant 1 : index
      %get3A_78 = arith.constant 0 : index
      %get3A_79 = vector.load %arg21[%get3A_77, %get3A_78] : memref<8x128xf32, #tpu.memory_space<vmem>>, vector<1x128xf32>
      %mul3A_80 = arith.mulf %add3A_66, %add3A_66 : vector<512x128xf32>
      %reduce_sum3A_81 = arith.constant dense<0.000000e+00> : vector<128xf32>
      %reduce_sum3A_82 = vector.multi_reduction <add>, %mul3A_80, %reduce_sum3A_81 [0] : vector<512x128xf32> to vector<128xf32>
      %broadcast_in_dim3A_83 = vector.shape_cast %reduce_sum3A_82 : vector<128xf32> to vector<1x128xf32>
      %add3A_84 = arith.addf %get3A_79, %broadcast_in_dim3A_83 : vector<1x128xf32>
      %swap3A_85 = arith.constant 1 : index
      %swap3A_86 = arith.constant 0 : index
      %swap3A_87 = vector.load %arg21[%swap3A_85, %swap3A_86] : memref<8x128xf32, #tpu.memory_space<vmem>>, vector<1x128xf32>
      tpu.vector_store %arg21[%swap3A_85, %swap3A_86], %add3A_84 {strides = array<i32>} : memref<8x128xf32, #tpu.memory_space<vmem>>, vector<1x128xf32>,
    } else {
    }
    %eq3A_10 = arith.constant 1 : i32
    %eq3A_11 = arith.cmpi eq, %arg0, %eq3A_10 : i32
    %convert_element_type3A_12 = arith.extui %eq3A_11 : i1 to i32
    %cond3A_13 = arith.constant 0 : i32
    %cond3A_14 = arith.cmpi ne, %convert_element_type3A_12, %cond3A_13 : i32
    scf.if %cond3A_14 {
      %get3A = arith.constant 0 : index
      %get3A_20 = arith.constant 0 : index
      %get3A_21 = vector.load %arg21[%get3A, %get3A_20] : memref<8x128xf32, #tpu.memory_space<vmem>>, vector<1x128xf32>
      %mul3A_22 = arith.constant 6.10351563E-5 : f32
      %mul3A_23 = vector.broadcast %mul3A_22 : f32 to vector<1x128xf32>
      %mul3A_24 = arith.mulf %get3A_21, %mul3A_23 : vector<1x128xf32>
      %get3A_25 = arith.constant 1 : index
      %get3A_26 = arith.constant 0 : index
      %get3A_27 = vector.load %arg21[%get3A_25, %get3A_26] : memref<8x128xf32, #tpu.memory_space<vmem>>, vector<1x128xf32>
      %mul3A_28 = arith.constant 6.10351563E-5 : f32
      %mul3A_29 = vector.broadcast %mul3A_28 : f32 to vector<1x128xf32>
      %mul3A_30 = arith.mulf %get3A_27, %mul3A_29 : vector<1x128xf32>
      %mul3A_31 = arith.mulf %mul3A_24, %mul3A_24 : vector<1x128xf32>
      %sub3A = arith.subf %mul3A_30, %mul3A_31 : vector<1x128xf32>
      %get3A_32 = arith.constant 0 : index
      %get3A_33 = arith.constant 0 : index
      %get3A_34 = vector.load %arg12[%get3A_32, %get3A_33] : memref<1x128xf32, #tpu.memory_space<vmem>>, vector<1x128xf32>
      %add3A = arith.constant 9.99999974E-6 : f32
      %add3A_35 = vector.broadcast %add3A : f32 to vector<1x128xf32>
      %add3A_36 = arith.addf %sub3A, %add3A_35 : vector<1x128xf32>
      %sqrt3A = math.sqrt %add3A_36 : vector<1x128xf32>
      %div3A = arith.divf %get3A_34, %sqrt3A : vector<1x128xf32>
      %get3A_37 = arith.constant 0 : index
      %get3A_38 = arith.constant 0 : index
      %get3A_39 = vector.load %arg13[%get3A_37, %get3A_38] : memref<1x128xf32, #tpu.memory_space<vmem>>, vector<1x128xf32>
      %mul3A_40 = arith.mulf %mul3A_24, %div3A : vector<1x128xf32>
      %sub3A_41 = arith.subf %get3A_39, %mul3A_40 : vector<1x128xf32>
      %get3A_42 = arith.index_cast %mul3A_0 : i32 to index
      %get3A_43 = arith.constant 0 : index
      %get3A_44 = vector.load %arg19[%get3A_42, %get3A_43] : memref<16384x128xf32, #tpu.memory_space<vmem>>, vector<512x128xf32>
      %mul3A_45 = vector.broadcast %div3A : vector<1x128xf32> to vector<512x128xf32>
      %mul3A_46 = arith.mulf %get3A_44, %mul3A_45 : vector<512x128xf32>
      %add3A_47 = vector.broadcast %sub3A_41 : vector<1x128xf32> to vector<512x128xf32>
      %add3A_48 = arith.addf %mul3A_46, %add3A_47 : vector<512x128xf32>
      %max3A = arith.constant 0.000000e+00 : f32
      %max3A_49 = vector.broadcast %max3A : f32 to vector<512x128xf32>
      %max3A_50 = arith.maximumf %add3A_48, %max3A_49 : vector<512x128xf32>
      %get3A_51 = arith.constant 0 : index
      %get3A_52 = arith.constant 0 : index
      %get3A_53 = vector.load %arg14[%get3A_51, %get3A_52] : memref<128x128xf32, #tpu.memory_space<vmem>>, vector<128x128xf32>
      %dot_general3A = arith.constant dense<0.000000e+00> : vector<512x128xf32>
      %dot_general3A_54 = tpu.matmul %max3A_50, %get3A_53, %dot_general3A {dimension_numbers = #tpu.dot_dimension_numbers<[1], [0], [0], [1], [0, 0, 1, 1], [], []>, transpose_lhs_hint = false} : vector<512x128xf32>, vector<128x128xf32>, vector<512x128xf32> -> vector<512x128xf32>
      %get3A_55 = arith.constant 0 : index
      %get3A_56 = arith.constant 0 : index
      %get3A_57 = vector.load %arg15[%get3A_55, %get3A_56] : memref<1x128xf32, #tpu.memory_space<vmem>>, vector<1x128xf32>
      %add3A_58 = vector.broadcast %get3A_57 : vector<1x128xf32> to vector<512x128xf32>
      %add3A_59 = arith.addf %dot_general3A_54, %add3A_58 : vector<512x128xf32>
      %swap3A = arith.index_cast %mul3A_0 : i32 to index
      %swap3A_60 = arith.constant 0 : index
      %swap3A_61 = vector.load %arg20[%swap3A, %swap3A_60] : memref<16384x128xf32, #tpu.memory_space<vmem>>, vector<512x128xf32>
      tpu.vector_store %arg20[%swap3A, %swap3A_60], %add3A_59 {strides = array<i32>} : memref<16384x128xf32, #tpu.memory_space<vmem>>, vector<512x128xf32>,
      %get3A_62 = arith.constant 2 : index
      %get3A_63 = arith.constant 0 : index
      %get3A_64 = vector.load %arg21[%get3A_62, %get3A_63] : memref<8x128xf32, #tpu.memory_space<vmem>>, vector<1x128xf32>
      %reduce_sum3A = arith.constant dense<0.000000e+00> : vector<128xf32>
      %reduce_sum3A_65 = vector.multi_reduction <add>, %add3A_59, %reduce_sum3A [0] : vector<512x128xf32> to vector<128xf32>
      %broadcast_in_dim3A = vector.shape_cast %reduce_sum3A_65 : vector<128xf32> to vector<1x128xf32>
      %add3A_66 = arith.addf %get3A_64, %broadcast_in_dim3A : vector<1x128xf32>
      %swap3A_67 = arith.constant 2 : index
      %swap3A_68 = arith.constant 0 : index
      %swap3A_69 = vector.load %arg21[%swap3A_67, %swap3A_68] : memref<8x128xf32, #tpu.memory_space<vmem>>, vector<1x128xf32>
      tpu.vector_store %arg21[%swap3A_67, %swap3A_68], %add3A_66 {strides = array<i32>} : memref<8x128xf32, #tpu.memory_space<vmem>>, vector<1x128xf32>,
      %get3A_70 = arith.constant 3 : index
      %get3A_71 = arith.constant 0 : index
      %get3A_72 = vector.load %arg21[%get3A_70, %get3A_71] : memref<8x128xf32, #tpu.memory_space<vmem>>, vector<1x128xf32>
      %mul3A_73 = arith.mulf %add3A_59, %add3A_59 : vector<512x128xf32>
      %reduce_sum3A_74 = arith.constant dense<0.000000e+00> : vector<128xf32>
      %reduce_sum3A_75 = vector.multi_reduction <add>, %mul3A_73, %reduce_sum3A_74 [0] : vector<512x128xf32> to vector<128xf32>
      %broadcast_in_dim3A_76 = vector.shape_cast %reduce_sum3A_75 : vector<128xf32> to vector<1x128xf32>
      %add3A_77 = arith.addf %get3A_72, %broadcast_in_dim3A_76 : vector<1x128xf32>
      %swap3A_78 = arith.constant 3 : index
      %swap3A_79 = arith.constant 0 : index
      %swap3A_80 = vector.load %arg21[%swap3A_78, %swap3A_79] : memref<8x128xf32, #tpu.memory_space<vmem>>, vector<1x128xf32>
      tpu.vector_store %arg21[%swap3A_78, %swap3A_79], %add3A_77 {strides = array<i32>} : memref<8x128xf32, #tpu.memory_space<vmem>>, vector<1x128xf32>,
    } else {
    }
    %eq3A_15 = arith.constant 2 : i32
    %eq3A_16 = arith.cmpi eq, %arg0, %eq3A_15 : i32
    %convert_element_type3A_17 = arith.extui %eq3A_16 : i1 to i32
    %cond3A_18 = arith.constant 0 : i32
    %cond3A_19 = arith.cmpi ne, %convert_element_type3A_17, %cond3A_18 : i32
    scf.if %cond3A_19 {
      %get3A = arith.constant 2 : index
      %get3A_20 = arith.constant 0 : index
      %get3A_21 = vector.load %arg21[%get3A, %get3A_20] : memref<8x128xf32, #tpu.memory_space<vmem>>, vector<1x128xf32>
      %mul3A_22 = arith.constant 6.10351563E-5 : f32
      %mul3A_23 = vector.broadcast %mul3A_22 : f32 to vector<1x128xf32>
      %mul3A_24 = arith.mulf %get3A_21, %mul3A_23 : vector<1x128xf32>
      %get3A_25 = arith.constant 3 : index
      %get3A_26 = arith.constant 0 : index
      %get3A_27 = vector.load %arg21[%get3A_25, %get3A_26] : memref<8x128xf32, #tpu.memory_space<vmem>>, vector<1x128xf32>
      %mul3A_28 = arith.constant 6.10351563E-5 : f32
      %mul3A_29 = vector.broadcast %mul3A_28 : f32 to vector<1x128xf32>
      %mul3A_30 = arith.mulf %get3A_27, %mul3A_29 : vector<1x128xf32>
      %mul3A_31 = arith.mulf %mul3A_24, %mul3A_24 : vector<1x128xf32>
      %sub3A = arith.subf %mul3A_30, %mul3A_31 : vector<1x128xf32>
      %get3A_32 = arith.constant 0 : index
      %get3A_33 = arith.constant 0 : index
      %get3A_34 = vector.load %arg16[%get3A_32, %get3A_33] : memref<1x128xf32, #tpu.memory_space<vmem>>, vector<1x128xf32>
      %add3A = arith.constant 9.99999974E-6 : f32
      %add3A_35 = vector.broadcast %add3A : f32 to vector<1x128xf32>
      %add3A_36 = arith.addf %sub3A, %add3A_35 : vector<1x128xf32>
      %sqrt3A = math.sqrt %add3A_36 : vector<1x128xf32>
      %div3A = arith.divf %get3A_34, %sqrt3A : vector<1x128xf32>
      %get3A_37 = arith.constant 0 : index
      %get3A_38 = arith.constant 0 : index
      %get3A_39 = vector.load %arg17[%get3A_37, %get3A_38] : memref<1x128xf32, #tpu.memory_space<vmem>>, vector<1x128xf32>
      %mul3A_40 = arith.mulf %mul3A_24, %div3A : vector<1x128xf32>
      %sub3A_41 = arith.subf %get3A_39, %mul3A_40 : vector<1x128xf32>
      %get3A_42 = arith.index_cast %mul3A_0 : i32 to index
      %get3A_43 = arith.constant 0 : index
      %get3A_44 = vector.load %arg20[%get3A_42, %get3A_43] : memref<16384x128xf32, #tpu.memory_space<vmem>>, vector<512x128xf32>
      %mul3A_45 = vector.broadcast %div3A : vector<1x128xf32> to vector<512x128xf32>
      %mul3A_46 = arith.mulf %get3A_44, %mul3A_45 : vector<512x128xf32>
      %add3A_47 = vector.broadcast %sub3A_41 : vector<1x128xf32> to vector<512x128xf32>
      %add3A_48 = arith.addf %mul3A_46, %add3A_47 : vector<512x128xf32>
      %max3A = arith.constant 0.000000e+00 : f32
      %max3A_49 = vector.broadcast %max3A : f32 to vector<512x128xf32>
      %max3A_50 = arith.maximumf %add3A_48, %max3A_49 : vector<512x128xf32>
      %swap3A = arith.constant 0 : index
      %swap3A_51 = arith.constant 0 : index
      %swap3A_52 = vector.load %arg18[%swap3A, %swap3A_51] : memref<512x128xf32, #tpu.memory_space<vmem>>, vector<512x128xf32>
      tpu.vector_store %arg18[%swap3A, %swap3A_51], %max3A_50 {strides = array<i32>} : memref<512x128xf32, #tpu.memory_space<vmem>>, vector<512x128xf32>,
    } else {
    }
    return
  }
  func.func @transform_0(%arg0: i32, %arg1: i32) -> (i32, i32) {
    %eq3A = arith.constant 0 : i32
    %eq3A_0 = arith.cmpi eq, %arg0, %eq3A : i32
    %jit3A = arith.constant 0 : i32
    %select_n3A = arith.select %eq3A_0, %arg1, %jit3A : i32
    %c0_i32 = arith.constant 0 : i32
    %c0_i32_1 = arith.constant 0 : i32
    return %select_n3A, %c0_i32 : i32, i32
  }
  func.func @transform_1(%arg0: i32, %arg1: i32) -> (i32, i32) {
    %eq3A = arith.constant 0 : i32
    %eq3A_0 = arith.cmpi eq, %arg0, %eq3A : i32
    %jit3A = arith.constant 0 : i32
    %select_n3A = arith.select %eq3A_0, %arg1, %jit3A : i32
    %c0_i32 = arith.constant 0 : i32
    %c0_i32_1 = arith.constant 0 : i32
    return %select_n3A, %c0_i32 : i32, i32
  }
  func.func @transform_2(%arg0: i32, %arg1: i32) -> (i32, i32) {
    %eq3A = arith.constant 0 : i32
    %eq3A_0 = arith.cmpi eq, %arg0, %eq3A : i32
    %jit3A = arith.constant 0 : i32
    %select_n3A = arith.select %eq3A_0, %arg1, %jit3A : i32
    %add3A = arith.constant 0 : i32
    %add3A_1 = arith.addi %add3A, %select_n3A : i32
    %c0_i32 = arith.constant 0 : i32
    %c0_i32_2 = arith.constant 0 : i32
    return %add3A_1, %c0_i32 : i32, i32
  }
  func.func @transform_3(%arg0: i32, %arg1: i32) -> (i32, i32) {
    %eq3A = arith.constant 0 : i32
    %eq3A_0 = arith.cmpi eq, %arg0, %eq3A : i32
    %jit3A = arith.constant 0 : i32
    %select_n3A = arith.select %eq3A_0, %arg1, %jit3A : i32
    %add3A = arith.constant 32 : i32
    %add3A_1 = arith.addi %add3A, %select_n3A : i32
    %c0_i32 = arith.constant 0 : i32
    %c0_i32_2 = arith.constant 0 : i32
    return %add3A_1, %c0_i32 : i32, i32
  }
  func.func @transform_4(%arg0: i32, %arg1: i32) -> (i32, i32) {
    %eq3A = arith.constant 0 : i32
    %eq3A_0 = arith.cmpi eq, %arg0, %eq3A : i32
    %jit3A = arith.constant 0 : i32
    %select_n3A = arith.select %eq3A_0, %arg1, %jit3A : i32
    %add3A = arith.constant 64 : i32
    %add3A_1 = arith.addi %add3A, %select_n3A : i32
    %c0_i32 = arith.constant 0 : i32
    %c0_i32_2 = arith.constant 0 : i32
    return %add3A_1, %c0_i32 : i32, i32
  }
  func.func @transform_5(%arg0: i32, %arg1: i32) -> (i32, i32) {
    %eq3A = arith.constant 0 : i32
    %eq3A_0 = arith.cmpi eq, %arg0, %eq3A : i32
    %jit3A = arith.constant 0 : i32
    %select_n3A = arith.select %eq3A_0, %arg1, %jit3A : i32
    %c0_i32 = arith.constant 0 : i32
    %c0_i32_1 = arith.constant 0 : i32
    return %select_n3A, %c0_i32 : i32, i32
  }
  func.func @transform_6(%arg0: i32, %arg1: i32) -> (i32, i32) {
    %c0_i32 = arith.constant 0 : i32
    %c0_i32_0 = arith.constant 0 : i32
    %c0_i32_1 = arith.constant 0 : i32
    return %c0_i32, %c0_i32_0 : i32, i32
  }
  func.func @transform_7(%arg0: i32, %arg1: i32) -> (i32, i32) {
    %c0_i32 = arith.constant 0 : i32
    %c0_i32_0 = arith.constant 0 : i32
    %c0_i32_1 = arith.constant 0 : i32
    return %c0_i32, %c0_i32_0 : i32, i32
  }
  func.func @transform_8(%arg0: i32, %arg1: i32) -> (i32, i32) {
    %c0_i32 = arith.constant 0 : i32
    %c0_i32_0 = arith.constant 0 : i32
    %c0_i32_1 = arith.constant 0 : i32
    return %c0_i32, %c0_i32_0 : i32, i32
  }
  func.func @transform_9(%arg0: i32, %arg1: i32) -> (i32, i32) {
    %c0_i32 = arith.constant 0 : i32
    %c0_i32_0 = arith.constant 0 : i32
    %c0_i32_1 = arith.constant 0 : i32
    return %c0_i32, %c0_i32_0 : i32, i32
  }
  func.func @transform_10(%arg0: i32, %arg1: i32) -> (i32, i32) {
    %c0_i32 = arith.constant 0 : i32
    %c0_i32_0 = arith.constant 0 : i32
    %c0_i32_1 = arith.constant 0 : i32
    return %c0_i32, %c0_i32_0 : i32, i32
  }
  func.func @transform_11(%arg0: i32, %arg1: i32) -> (i32, i32) {
    %c0_i32 = arith.constant 0 : i32
    %c0_i32_0 = arith.constant 0 : i32
    %c0_i32_1 = arith.constant 0 : i32
    return %c0_i32, %c0_i32_0 : i32, i32
  }
  func.func @transform_12(%arg0: i32, %arg1: i32) -> (i32, i32) {
    %c0_i32 = arith.constant 0 : i32
    %c0_i32_0 = arith.constant 0 : i32
    %c0_i32_1 = arith.constant 0 : i32
    return %c0_i32, %c0_i32_0 : i32, i32
  }
  func.func @transform_13(%arg0: i32, %arg1: i32) -> (i32, i32) {
    %c0_i32 = arith.constant 0 : i32
    %c0_i32_0 = arith.constant 0 : i32
    %c0_i32_1 = arith.constant 0 : i32
    return %c0_i32, %c0_i32_0 : i32, i32
  }
  func.func @transform_14(%arg0: i32, %arg1: i32) -> (i32, i32) {
    %c0_i32 = arith.constant 0 : i32
    %c0_i32_0 = arith.constant 0 : i32
    %c0_i32_1 = arith.constant 0 : i32
    return %c0_i32, %c0_i32_0 : i32, i32
  }
  func.func @transform_15(%arg0: i32, %arg1: i32) -> (i32, i32) {
    %c0_i32 = arith.constant 0 : i32
    %c0_i32_0 = arith.constant 0 : i32
    %c0_i32_1 = arith.constant 0 : i32
    return %c0_i32, %c0_i32_0 : i32, i32
  }
  func.func @transform_16(%arg0: i32, %arg1: i32) -> (i32, i32) {
    %eq3A = arith.constant 2 : i32
    %eq3A_0 = arith.cmpi eq, %arg0, %eq3A : i32
    %jit3A = arith.constant 0 : i32
    %select_n3A = arith.select %eq3A_0, %arg1, %jit3A : i32
    %c0_i32 = arith.constant 0 : i32
    %c0_i32_1 = arith.constant 0 : i32
    return %select_n3A, %c0_i32 : i32, i32
  }
}

</mosaic_0001>

<sc_bundles>
// kernel: kernel.5.cloned.1.call-start
scs
__scs_entry_jumppad:
0x0: {  	(pc) =	sbr.rel $0x88, $3  }
0x1: {  	(tag) =	ssettag $0x0;
	lr =	simm.s32 $0x1  }
0x2: {  	[smem:$0x3F95] =	sst lr;
	_ =	strace $0xD0000000  }
0x3: {  	_ = 	snop  }
0x4: {  	_ = 	snop  }
0x5: {  	_ = 	snop  }
0x6: {  	_ = 	snop  }
0x7: {  	_ = 	snop  }
__scs_overlays_trampoline_lowered:
0x8: {  	[smem:$0x3FA4] =	sst s0  }
0x9: {  	[smem:$0x3FA5] =	sst s1  }
0xa: {  	[smem:$0x3FA6] =	sst s2  }
0xb: {  	[smem:$0x3FA7] =	sst s3  }
0xc: {  	[smem:$0x3FA8] =	sst s4  }
0xd: {  	[smem:$0x3FA9] =	sst s5  }
0xe: {  	[smem:$0x3FAA] =	sst s6  }
0xf: {  	[smem:$0x3FAB] =	sst s7  }
0x10: {  	[smem:$0x3FAC] =	sst s8  }
0x11: {  	[smem:$0x3FAD] =	sst s9;
	s0 =	simm.s32 @!p0 $0x0  }
0x12: {  	s1 =	sld [smem:$0x3F93];
	s0 =	simm.s32 @p0 $0x1  }
0x13: {  	[smem:$0x3FAE] =	sst s0;
	s0 =	simm.s32 @!p1 $0x0  }
0x14: {  	s2 =	sld [smem:$0x3F92];
	s0 =	simm.s32 @p1 $0x1  }
0x15: {  	[smem:$0x3FAF] =	sst s0;
	s0 =	simm.s32 @!p2 $0x0  }
0x16: {  	s3 =	sld [smem:$0x3FDB];
	s0 =	simm.s32 @p2 $0x1  }
0x17: {  	s4 =	simm.s32 $0x1BF5;
	[smem:$0x3FB1] =	sst s0  }
0x18: {  	s0 =	sld [smem:$0x3F94];
	_ =	swait.ge [sflag:s4], $0x0  }
0x19: {  	s7 =	sld [smem:$0x3F95]  }
0x1a: {  	s8 =	sadd.s32 $0xFFFFE003, lr  }
0x1b: {  	s9 =	sadd.s32 $0xFFFFFEF7, lr;
	s5 =	simm.s32 $0xFFFFFFFF;
	p2 =	slt.u32 s8, $0xFFFFF086  }
0x1c: {  	p1 =	slt.u32 s9, $0xF7A;
	s5 =	simm.s32 @!p2 $0x0  }
0x1d: {  	s5 =	simm.s32 @p1 $0x1;
	p0 =	seq.s32 s7, s2  }
0x1e: {  	s7 =	smul.u32 @!p0 $0xF7A, s2;
	p2 =	seq.s32 @!p0 s5, $0x0  }
0x1f: {  	s9 =	smul.u32 $0xF7A, s1;
	s8 =	simm.s32 @!p0 $0x1BF5;
	p2 =	por !p2, p0  }
0x20: {  	[sflag:s8] =	ssyncset.s32 @!p0 $0xFFFFF086;
	s6 =	sadd.s32 @!p0 s3, s7;
	s7 =	simm.s32 @!p0 $0x108  }
0x21: {  	s3 =	sadd.s32 s3, s9;
	s6 =	sadd.s32 @!p0 $0x88, s6;
	s7 =	simm.s32 @p2 $0x1082  }
0x22: {  	[simem:s7], [sflag:s8] =	dma.local @!p0 [hbm:s6], $0xF7A  }
0x23: {  	s9 =	sor.u32 $0xD0000000, s2;
	s6 =	simm.s32 $0x108;
	_ =	swait.ge @!p0 [sflag:s8], $0x0  }
0x24: {  	s3 =	sadd.s32 $0x88, s3;
	s6 =	simm.s32 @!p1 $0x1082;
	[sflag:s4] =	ssyncset.s32 $0xFFFFF086  }
0x25: {  	[simem:s6], [sflag:s4] =	dma.local [hbm:s3], $0xF7A  }
0x26: {  	[smem:$0x3F95] =	sst s1;
	(tag) =	ssettag s2;
	_ =	strace s9  }
0x27: {  	s1 =	sld [smem:$0x3FA5]  }
0x28: {  	s2 =	sld [smem:$0x3FA6]  }
0x29: {  	s4 =	sld [smem:$0x3FA8]  }
0x2a: {  	p0 =	seq.s32 s5, $0x0;
	s5 =	sld [smem:$0x3FA9]  }
0x2b: {  	s6 =	sld [smem:$0x3FAA]  }
0x2c: {  	s7 =	sld [smem:$0x3FAB]  }
0x2d: {  	s3 =	simm.s32 $0x108;
	s8 =	sld [smem:$0x3FAC]  }
0x2e: {  	s3 =	simm.s32 @!p0 $0x1082;
	s9 =	sld [smem:$0x3FAD]  }
0x2f: {  	lr =	sadd.s32 s0, s3;
	s0 =	sld [smem:$0x3FA4]  }
0x30: {  	s3 =	sld [smem:$0x3FA7]  }
0x31: {  	[smem:$0x3FB0] =	sst s10  }
0x32: {  	s10 =	sld [smem:$0x3FAE];
	_ =	sdelay $0x3  }
0x33: {  	p0 =	seq.s32 s10, $0x1;
	s10 =	sld [smem:$0x3FB0];
	_ =	sdelay $0x3  }
0x34: {  	[smem:$0x3FB0] =	sst s10  }
0x35: {  	s10 =	sld [smem:$0x3FAF];
	_ =	sdelay $0x3  }
0x36: {  	p1 =	seq.s32 s10, $0x1;
	s10 =	sld [smem:$0x3FB0];
	_ =	sdelay $0x3  }
0x37: {  	[smem:$0x3FB0] =	sst s10  }
0x38: {  	s10 =	sld [smem:$0x3FB1]  }
0x39: {  	_ = 	snop;
	(pc) =	sbr.ind lr, $3  }
0x3a: {  	_ = 	snop  }
0x3b: {  	_ = 	snop  }
0x3c: {  	p2 =	seq.s32 s10, $0x1;
	s10 =	sld [smem:$0x3FB0]  }
0x3d: {  	_ =	shalt  }
0x3e: {  	_ =	shalt  }
0x3f: {  	_ =	shalt  }
0x40: {  	_ =	shalt  }
0x41: {  	_ =	shalt  }
0x42: {  	_ =	shalt  }
0x43: {  	_ =	shalt  }
0x44: {  	_ =	shalt  }
0x45: {  	_ =	shalt  }
0x46: {  	_ =	shalt  }
0x47: {  	_ =	shalt  }
0x48: {  	_ =	shalt  }
0x49: {  	_ =	shalt  }
0x4a: {  	_ =	shalt  }
0x4b: {  	_ =	shalt  }
0x4c: {  	_ =	shalt  }
0x4d: {  	_ =	shalt  }
0x4e: {  	_ =	shalt  }
0x4f: {  	_ =	shalt  }
0x50: {  	_ =	shalt  }
0x51: {  	_ =	shalt  }
0x52: {  	_ =	shalt  }
0x53: {  	_ =	shalt  }
0x54: {  	_ =	shalt  }
0x55: {  	_ =	shalt  }
0x56: {  	_ =	shalt  }
0x57: {  	_ =	shalt  }
0x58: {  	_ =	shalt  }
0x59: {  	_ =	shalt  }
0x5a: {  	_ =	shalt  }
0x5b: {  	_ =	shalt  }
0x5c: {  	_ =	shalt  }
0x5d: {  	_ =	shalt  }
0x5e: {  	_ =	shalt  }
0x5f: {  	_ =	shalt  }
0x60: {  	_ =	shalt  }
0x61: {  	_ =	shalt  }
0x62: {  	_ =	shalt  }
0x63: {  	_ =	shalt  }
0x64: {  	_ =	shalt  }
0x65: {  	_ =	shalt  }
0x66: {  	_ =	shalt  }
0x67: {  	_ =	shalt  }
0x68: {  	_ =	shalt  }
0x69: {  	_ =	shalt  }
0x6a: {  	_ =	shalt  }
0x6b: {  	_ =	shalt  }
0x6c: {  	_ =	shalt  }
0x6d: {  	_ =	shalt  }
0x6e: {  	_ =	shalt  }
0x6f: {  	_ =	shalt  }
0x70: {  	_ =	shalt  }
0x71: {  	_ =	shalt  }
0x72: {  	_ =	shalt  }
0x73: {  	_ =	shalt  }
0x74: {  	_ =	shalt  }
0x75: {  	_ =	shalt  }
0x76: {  	_ =	shalt  }
0x77: {  	_ =	shalt  }
0x78: {  	_ =	shalt  }
0x79: {  	_ =	shalt  }
0x7a: {  	_ =	shalt  }
0x7b: {  	_ =	shalt  }
0x7c: {  	_ =	shalt  }
0x7d: {  	_ =	shalt  }
0x7e: {  	_ =	shalt  }
0x7f: {  	_ =	shalt  }
0x80: {  	_ =	shalt  }
0x81: {  	_ =	shalt  }
0x82: {  	_ =	shalt  }
0x83: {  	_ =	shalt  }
0x84: {  	_ =	shalt  }
0x85: {  	_ =	shalt  }
0x86: {  	_ =	shalt  }
0x87: {  	_ =	shalt  }
.Lfunc_end0:
.L_simem_size_0:
called_computation_lowered:
.L_overlay_start_0:
0x88: {  	s2 =	sld [smem:$0x3FD9]  }
0x89: {  	s3 =	sld [smem:$0x3FFE];
	_ =	sdelay $0x1  }
0x8a: {  	s1 =	srdreg.scid  }
0x8b: {  	s0 =	sand.u32 $0x1, s1  }
0x8c: {  	s16 =	sshll.u32 s0, $0xA;
	s2 =	sadd.s32 s3, s2  }
0x8d: {  	s2 =	sadd.s32 s2, s16  }
0x8e: {  	[smem:$0x3FBC] =	sst s2  }
0x8f: {  	_ = 	snop  }
0x90: {  	(tm) =	ssettm $0x1  }
0x91: {  	s17 =	sld [smem:$0x3FFB];
	_ =	sdelay $0x3  }
0x92: {  	_ =	strace s17  }
0x93: {  	s2 =	sld [smem:$0x3FFC];
	_ =	sdelay $0x3  }
0x94: {  	_ =	strace s2  }
0x95: {  	s2 =	sld [smem:$0x3FFD];
	_ =	sdelay $0x3  }
0x96: {  	_ =	strace s2  }
0x97: {  	_ =	strace $0x8FFFFFFF  }
0x98: {  	s18 =	sld [smem:$0x3FDB];
	_ =	sdelay $0x1  }
0x99: {  	s19 =	simm.s32 $_scs_section_size  }
0x9a: {  	s4 =	simm.s32 $_size__tile_overlayer_lowered;
	s5 =	simm.s32 $_tile_overlayer_lowered  }
0x9b: {  	s22 =	simm.s32 $0x1BFF;
	s21 =	sshll.u32 s5, $0x1;
	s2 =	sadd.s32 s19, s18  }
0x9c: {  	s6 =	simm.s32 $0x0;
	s20 =	sshll.u32 s4, $0x1;
	s4 =	sadd.s32 s21, s2  }
0x9d: {  	[timem:s6], [sflag:s22] =	dma.local [hbm:s4], s20  }
0x9e: {  	_ =	swait.ge [sflag:s22], s20  }
0x9f: {  	s3 =	ssub.s32 $0x0, s20;
	[sflag:s22] =	ssyncset.done $0x0  }
0xa0: {  	[sflag:s22] =	ssyncadd.s32 s3;
	_ =	sdelay $0x1  }
0xa1: {  	s23 =	simm.s32 $0x1B8B  }
0xa2: {  	_ =	swait.ge [sflag:s23], $0x1  }
0xa3: {  	[sflag:s23] =	ssyncset.done $0x0  }
0xa4: {  	s25 =	simm.s32 $0x1B8E;
	s24 =	sld [smem:$0x3FFE];
	[sflag:s23] =	ssyncadd.s32 $0xFFFFFFFF  }
0xa5: {  	s26 =	simm.s32 $execute0_lowered;
	[smem:$0x3FD2] =	sst s25  }
0xa6: {  	s4 =	sshll.u32 s26, $0x1;
	_ =	strace $0x80000046;
	[dreg:$0x1] =	wrdreg $0xFFFFFFFF  }
0xa7: {  	s28 =	simm.s32 $_size_execute0_lowered;
	s2 =	sadd.s32 s2, s4;
	[dreg:$0x0] =	wrdreg $0x0  }
0xa8: {  	s4 =	sshll.u32 s28, $0x1;
	[dreg:$0x2] =	wrdreg s2  }
0xa9: {  	[dreg:$0x3] =	wrdreg s4  }
0xaa: {  	[dreg:$0x4] =	wrdreg $0xC0  }
0xab: {  	_ =	task [dreg:s6], $0x5FFFF  }
0xac: {  	[dreg:$0x1] =	wrdreg $0xFFFFFFFF  }
0xad: {  	[dreg:$0x0] =	wrdreg $0x60  }
0xae: {  	[dreg:$0x2] =	wrdreg s24  }
0xaf: {  	[dreg:$0x3] =	wrdreg $0x9  }
0xb0: {  	_ =	task.clear_ibuf [dreg:s6], $0x4FFFF;
	_ =	strace $0x90000046  }
0xb1: {  	s29 =	simm.s32 $0x9;
	_ =	strace $0x80000048  }
0xb2: {  	_ =	swait.ge [sflag:s29], $0x1  }
0xb3: {  	[sflag:s29] =	ssyncadd.s32 $0xFFFFFFFF  }
0xb4: {  	_ =	strace $0x90000048  }
0xb5: {  	_ =	sfence  }
0xb6: {  	s30 =	sld [smem:$0x0];
	_ =	sdelay $0x2  }
0xb7: {  	s31 =	sshll.u32 s1, $0xD;
	s1 =	sshrl.u32 s1, $0x2  }
0xb8: {  	s3 =	sand.u32 $0x4000, s31;
	s1 =	sadd.s32 s1, s30  }
0xb9: {  	s0 =	sor.u32 s3, s0;
	s1 =	sshll.u32 s1, $0x11  }
0xba: {  	s0 =	sor.u32 s1, s0  }
0xbb: {  	s0 =	sadd.s32 $0x8F2B, s0  }
0xbc: {  	[sflag:s0] =	ssyncadd.remote.s32 $0x1  }
0xbd: {  	_ =	sfence.sel $0xFFFF  }
0xbe: {  	[dreg:$0x0] =	wrdreg $0xFFFFFFFF;
	(pc) =	sbr.abs _section_cstart, $3  }
0xbf: {  	[dreg:$0x1] =	wrdreg $0xFFFFFFFF  }
0xc0: {  	_ =	task.clear_ibuf [dreg:s6], $0x2FFFF;
	_ =	strace $0x9FFFFFFF  }
0xc1: {  	(tm) =	ssettm $0x7FFFFFFF  }
tec
execute0_lowered:
.L_overlay_start_1:
0x0: {  	(tag) =	ssettag $0x1  }
0x1: {  	s1 =	srdreg.scid  }
0x2: {  	s0 =	stileid.u32;
	s18 =	sand.u32 $0x1, s1  }
0x3: {  	s14 =	rddreg [dreg:$0x0];
	s3 =	sshll.u32 s0, $0xA;
	s4 =	sshll.u32 s18, $0x9  }
0x4: {  	s2 =	simm.s32 $0x0;
	s1 =	rddreg [dreg:$0x1];
	s19 =	sor.u32 s4, s3  }
0x5: {  	[smem:$0x7FF] =	sst s2;
	s17 =	sadd.s32 $0x42800, s14;
	s3 =	sshrl.u32 s19, $0x3  }
0x6: {  	_ =	strace $0x80000047;
	s4 =	sadd.s32 s17, s3;
	s3 =	simm.s32 $0x2  }
0x7: {  	[tilespmem:s2], [sflag:$0x2] =	stream.linear.gather [hbm4b:s4+s2], $0x200, $0x38;
	[tilespmem:$0x10200] =	vst v63  }
0x8: {  	_ =	swait.ge [sflag:s3], $0x200  }
0x9: {  	s6 =	simm.s32 $0x80;
	[sflag:s3] =	ssyncset.done $0x0  }
0xa: {  	s7 =	simm.s32 $0x200;
	s5 =	sadd.s32 $0x44000, s14;
	[sflag:s3] =	ssyncadd.s32 $0xFFFFFE00  }
0xb: {  	[tilespmem:s7], [sflag:$0x1] =	stream.indirect.gather [hbm4b:s5+s6], $0x80, s2, s6, $0xb8;
	[tilespmem:$0x10200] =	vst v63  }
0xc: {  	s8 =	simm.s32 $0x4200  }
0xd: {  	[tilespmem:s8], [sflag:$0x1] =	stream.indirect.gather [hbm4b:s5+s6], $0x80, s6, s6, $0xb8;
	[tilespmem:$0x10200] =	vst v63  }
0xe: {  	s9 =	simm.s32 $0x100;
	s10 =	simm.s32 $0x8200  }
0xf: {  	[tilespmem:s10], [sflag:$0x1] =	stream.indirect.gather [hbm4b:s5+s6], $0x80, s9, s6, $0xb8;
	[tilespmem:$0x10200] =	vst v63  }
0x10: {  	s11 =	simm.s32 $0x180;
	s12 =	simm.s32 $0xC200;
	s13 =	simm.s32 $0x1  }
0x11: {  	[tilespmem:s12], [sflag:$0x1] =	stream.indirect.gather [hbm4b:s5+s6], $0x80, s11, s6, $0xb8;
	[tilespmem:$0x10200] =	vst v63  }
0x12: {  	_ =	swait.ge [sflag:s13], $0x4000  }
0x13: {  	[sflag:s13] =	ssyncset.done $0x0  }
0x14: {  	[sflag:s13] =	ssyncadd.s32 $0xFFFFC000  }
0x15: {  	_ =	swait.ge [sflag:s13], $0x4000  }
0x16: {  	[sflag:s13] =	ssyncset.done $0x0  }
0x17: {  	[sflag:s13] =	ssyncadd.s32 $0xFFFFC000  }
0x18: {  	_ =	swait.ge [sflag:s13], $0x4000  }
0x19: {  	[sflag:s13] =	ssyncset.done $0x0  }
0x1a: {  	[sflag:s13] =	ssyncadd.s32 $0xFFFFC000  }
0x1b: {  	_ =	swait.ge [sflag:s13], $0x4000  }
0x1c: {  	s20 =	sadd.s32 $0x54000, s14;
	s28 =	sshll.u32 s19, $0x4;
	[sflag:s13] =	ssyncset.done $0x0  }
0x1d: {  	s14 =	sadd.s32 s20, s28;
	[sflag:s13] =	ssyncadd.s32 $0xFFFFC000  }
0x1e: {  	[hbm4b:s14+s2] =	stream.linear.scatter [tilespmem:s7], [sflag:$0x2], $0x10000, $0x38;
	[tilespmem:$0x10200] =	vst v63  }
0x1f: {  	s16 =	sor.u32 $0x4000, s19;
	_ =	swait.ge [sflag:s3], $0x10000  }
0x20: {  	s15 =	sshrl.u32 s16, $0x3;
	[sflag:s3] =	ssyncset.done $0x0  }
0x21: {  	s15 =	sadd.s32 s17, s15;
	[sflag:s3] =	ssyncadd.s32 $0xFFFF0000  }
0x22: {  	[tilespmem:s2], [sflag:$0x2] =	stream.linear.gather [hbm4b:s15+s2], $0x200, $0x38;
	[tilespmem:$0x10200] =	vst v63  }
0x23: {  	_ =	swait.ge [sflag:s3], $0x200  }
0x24: {  	[sflag:s3] =	ssyncset.done $0x0  }
0x25: {  	[sflag:s3] =	ssyncadd.s32 $0xFFFFFE00  }
0x26: {  	[tilespmem:s7], [sflag:$0x1] =	stream.indirect.gather [hbm4b:s5+s6], $0x80, s2, s6, $0xb8;
	[tilespmem:$0x10200] =	vst v63  }
0x27: {  	_ = 	snop  }
0x28: {  	[tilespmem:s8], [sflag:$0x1] =	stream.indirect.gather [hbm4b:s5+s6], $0x80, s6, s6, $0xb8;
	[tilespmem:$0x10200] =	vst v63  }
0x29: {  	_ = 	snop  }
0x2a: {  	[tilespmem:s10], [sflag:$0x1] =	stream.indirect.gather [hbm4b:s5+s6], $0x80, s9, s6, $0xb8;
	[tilespmem:$0x10200] =	vst v63  }
0x2b: {  	_ = 	snop  }
0x2c: {  	[tilespmem:s12], [sflag:$0x1] =	stream.indirect.gather [hbm4b:s5+s6], $0x80, s11, s6, $0xb8;
	[tilespmem:$0x10200] =	vst v63  }
0x2d: {  	_ =	swait.ge [sflag:s13], $0x4000  }
0x2e: {  	[sflag:s13] =	ssyncset.done $0x0  }
0x2f: {  	[sflag:s13] =	ssyncadd.s32 $0xFFFFC000  }
0x30: {  	_ =	swait.ge [sflag:s13], $0x4000  }
0x31: {  	[sflag:s13] =	ssyncset.done $0x0  }
0x32: {  	[sflag:s13] =	ssyncadd.s32 $0xFFFFC000  }
0x33: {  	_ =	swait.ge [sflag:s13], $0x4000  }
0x34: {  	[sflag:s13] =	ssyncset.done $0x0  }
0x35: {  	[sflag:s13] =	ssyncadd.s32 $0xFFFFC000  }
0x36: {  	_ =	swait.ge [sflag:s13], $0x4000  }
0x37: {  	s16 =	sshll.u32 s16, $0x4;
	[sflag:s13] =	ssyncset.done $0x0  }
0x38: {  	s16 =	sadd.s32 s20, s16;
	[sflag:s13] =	ssyncadd.s32 $0xFFFFC000  }
0x39: {  	[hbm4b:s16+s2] =	stream.linear.scatter [tilespmem:s7], [sflag:$0x2], $0x10000, $0x38;
	[tilespmem:$0x10200] =	vst v63  }
0x3a: {  	s19 =	sor.u32 $0x8000, s19;
	_ =	swait.ge [sflag:s3], $0x10000  }
0x3b: {  	s21 =	sshrl.u32 s19, $0x3;
	[sflag:s3] =	ssyncset.done $0x0  }
0x3c: {  	s17 =	sadd.s32 s17, s21;
	[sflag:s3] =	ssyncadd.s32 $0xFFFF0000  }
0x3d: {  	[tilespmem:s2], [sflag:$0x2] =	stream.linear.gather [hbm4b:s17+s2], $0x200, $0x38;
	[tilespmem:$0x10200] =	vst v63  }
0x3e: {  	_ =	swait.ge [sflag:s3], $0x200  }
0x3f: {  	[sflag:s3] =	ssyncset.done $0x0  }
0x40: {  	[sflag:s3] =	ssyncadd.s32 $0xFFFFFE00  }
0x41: {  	[tilespmem:s7], [sflag:$0x1] =	stream.indirect.gather [hbm4b:s5+s6], $0x80, s2, s6, $0xb8;
	[tilespmem:$0x10200] =	vst v63  }
0x42: {  	_ = 	snop  }
0x43: {  	[tilespmem:s8], [sflag:$0x1] =	stream.indirect.gather [hbm4b:s5+s6], $0x80, s6, s6, $0xb8;
	[tilespmem:$0x10200] =	vst v63  }
0x44: {  	_ = 	snop  }
0x45: {  	[tilespmem:s10], [sflag:$0x1] =	stream.indirect.gather [hbm4b:s5+s6], $0x80, s9, s6, $0xb8;
	[tilespmem:$0x10200] =	vst v63  }
0x46: {  	_ = 	snop  }
0x47: {  	[tilespmem:s12], [sflag:$0x1] =	stream.indirect.gather [hbm4b:s5+s6], $0x80, s11, s6, $0xb8;
	[tilespmem:$0x10200] =	vst v63  }
0x48: {  	_ =	swait.ge [sflag:s13], $0x4000  }
0x49: {  	[sflag:s13] =	ssyncset.done $0x0  }
0x4a: {  	[sflag:s13] =	ssyncadd.s32 $0xFFFFC000  }
0x4b: {  	_ =	swait.ge [sflag:s13], $0x4000  }
0x4c: {  	[sflag:s13] =	ssyncset.done $0x0  }
0x4d: {  	s18 =	ssub.s32 $0x2, s18;
	[sflag:s13] =	ssyncadd.s32 $0xFFFFC000  }
0x4e: {  	s29 =	sshrl.u32 s18, $0x1;
	_ =	swait.ge [sflag:s13], $0x4000  }
0x4f: {  	s21 =	ssub.s32 s18, s29;
	[sflag:s13] =	ssyncset.done $0x0  }
0x50: {  	s31 =	smax.u32 s21, $0x1;
	[sflag:s13] =	ssyncadd.s32 $0xFFFFC000  }
0x51: {  	p0 =	sne.s32 s31, $0x1;
	_ =	swait.ge [sflag:s13], $0x4000  }
.Ltmp0:
0x52: {  	s30 =	sshll.u32 s19, $0x4;
	[sflag:s13] =	ssyncset.done $0x0;
	(pc) =	sbr.rel @!p0 .LBB2_2-.Ltmp0, $4  }
0x53: {  	s18 =	sadd.s32 s20, s30;
	[sflag:s13] =	ssyncadd.s32 $0xFFFFC000  }
0x54: {  	[hbm4b:s18+s2] =	stream.linear.scatter [tilespmem:s7], [sflag:$0x2], $0x10000, $0x38;
	[tilespmem:$0x10200] =	vst v63  }
0x55: {  	_ =	swait.ge [sflag:s3], $0x10000  }
0x56: {  	s19 =	sadd.s32 $0xFFFFFFFF, s31;
	[sflag:s3] =	ssyncset.done $0x0  }
.LBB2_1:
0x57: {  	p0 =	sne.s32 s19, $0x1;
	s19 =	sadd.s32 $0xFFFFFFFF, s19;
	[sflag:s3] =	ssyncadd.s32 $0xFFFF0000  }
0x58: {  	[tilespmem:s2], [sflag:$0x2] =	stream.linear.gather [hbm4b:s4+s2], $0x200, $0x38;
	[tilespmem:$0x10200] =	vst v63  }
0x59: {  	_ =	swait.ge [sflag:s3], $0x200  }
0x5a: {  	[sflag:s3] =	ssyncset.done $0x0  }
0x5b: {  	[sflag:s3] =	ssyncadd.s32 $0xFFFFFE00  }
0x5c: {  	[tilespmem:s7], [sflag:$0x1] =	stream.indirect.gather [hbm4b:s5+s6], $0x80, s2, s6, $0xb8;
	[tilespmem:$0x10200] =	vst v63  }
0x5d: {  	_ = 	snop  }
0x5e: {  	[tilespmem:s8], [sflag:$0x1] =	stream.indirect.gather [hbm4b:s5+s6], $0x80, s6, s6, $0xb8;
	[tilespmem:$0x10200] =	vst v63  }
0x5f: {  	_ = 	snop  }
0x60: {  	[tilespmem:s10], [sflag:$0x1] =	stream.indirect.gather [hbm4b:s5+s6], $0x80, s9, s6, $0xb8;
	[tilespmem:$0x10200] =	vst v63  }
0x61: {  	_ = 	snop  }
0x62: {  	[tilespmem:s12], [sflag:$0x1] =	stream.indirect.gather [hbm4b:s5+s6], $0x80, s11, s6, $0xb8;
	[tilespmem:$0x10200] =	vst v63  }
0x63: {  	_ =	swait.ge [sflag:s13], $0x4000  }
0x64: {  	[sflag:s13] =	ssyncset.done $0x0  }
0x65: {  	[sflag:s13] =	ssyncadd.s32 $0xFFFFC000  }
0x66: {  	_ =	swait.ge [sflag:s13], $0x4000  }
0x67: {  	[sflag:s13] =	ssyncset.done $0x0  }
0x68: {  	[sflag:s13] =	ssyncadd.s32 $0xFFFFC000  }
0x69: {  	_ =	swait.ge [sflag:s13], $0x4000  }
0x6a: {  	[sflag:s13] =	ssyncset.done $0x0  }
0x6b: {  	[sflag:s13] =	ssyncadd.s32 $0xFFFFC000  }
0x6c: {  	_ =	swait.ge [sflag:s13], $0x4000  }
0x6d: {  	[sflag:s13] =	ssyncset.done $0x0  }
0x6e: {  	[sflag:s13] =	ssyncadd.s32 $0xFFFFC000  }
0x6f: {  	[hbm4b:s14+s2] =	stream.linear.scatter [tilespmem:s7], [sflag:$0x2], $0x10000, $0x38;
	[tilespmem:$0x10200] =	vst v63  }
0x70: {  	_ =	swait.ge [sflag:s3], $0x10000  }
0x71: {  	[sflag:s3] =	ssyncset.done $0x0  }
0x72: {  	[sflag:s3] =	ssyncadd.s32 $0xFFFF0000  }
0x73: {  	[tilespmem:s2], [sflag:$0x2] =	stream.linear.gather [hbm4b:s15+s2], $0x200, $0x38;
	[tilespmem:$0x10200] =	vst v63  }
0x74: {  	_ =	swait.ge [sflag:s3], $0x200  }
0x75: {  	[sflag:s3] =	ssyncset.done $0x0  }
0x76: {  	[sflag:s3] =	ssyncadd.s32 $0xFFFFFE00  }
0x77: {  	[tilespmem:s7], [sflag:$0x1] =	stream.indirect.gather [hbm4b:s5+s6], $0x80, s2, s6, $0xb8;
	[tilespmem:$0x10200] =	vst v63  }
0x78: {  	_ = 	snop  }
0x79: {  	[tilespmem:s8], [sflag:$0x1] =	stream.indirect.gather [hbm4b:s5+s6], $0x80, s6, s6, $0xb8;
	[tilespmem:$0x10200] =	vst v63  }
0x7a: {  	_ = 	snop  }
0x7b: {  	[tilespmem:s10], [sflag:$0x1] =	stream.indirect.gather [hbm4b:s5+s6], $0x80, s9, s6, $0xb8;
	[tilespmem:$0x10200] =	vst v63  }
0x7c: {  	_ = 	snop  }
0x7d: {  	[tilespmem:s12], [sflag:$0x1] =	stream.indirect.gather [hbm4b:s5+s6], $0x80, s11, s6, $0xb8;
	[tilespmem:$0x10200] =	vst v63  }
0x7e: {  	_ =	swait.ge [sflag:s13], $0x4000  }
0x7f: {  	[sflag:s13] =	ssyncset.done $0x0  }
0x80: {  	[sflag:s13] =	ssyncadd.s32 $0xFFFFC000  }
0x81: {  	_ =	swait.ge [sflag:s13], $0x4000  }
0x82: {  	[sflag:s13] =	ssyncset.done $0x0  }
0x83: {  	[sflag:s13] =	ssyncadd.s32 $0xFFFFC000  }
0x84: {  	_ =	swait.ge [sflag:s13], $0x4000  }
0x85: {  	[sflag:s13] =	ssyncset.done $0x0  }
0x86: {  	[sflag:s13] =	ssyncadd.s32 $0xFFFFC000  }
0x87: {  	_ =	swait.ge [sflag:s13], $0x4000  }
0x88: {  	[sflag:s13] =	ssyncset.done $0x0  }
0x89: {  	[sflag:s13] =	ssyncadd.s32 $0xFFFFC000  }
0x8a: {  	[hbm4b:s16+s2] =	stream.linear.scatter [tilespmem:s7], [sflag:$0x2], $0x10000, $0x38;
	[tilespmem:$0x10200] =	vst v63  }
0x8b: {  	_ =	swait.ge [sflag:s3], $0x10000  }
0x8c: {  	[sflag:s3] =	ssyncset.done $0x0  }
0x8d: {  	[sflag:s3] =	ssyncadd.s32 $0xFFFF0000  }
0x8e: {  	[tilespmem:s2], [sflag:$0x2] =	stream.linear.gather [hbm4b:s17+s2], $0x200, $0x38;
	[tilespmem:$0x10200] =	vst v63  }
0x8f: {  	_ =	swait.ge [sflag:s3], $0x200  }
0x90: {  	[sflag:s3] =	ssyncset.done $0x0  }
0x91: {  	[sflag:s3] =	ssyncadd.s32 $0xFFFFFE00  }
0x92: {  	[tilespmem:s7], [sflag:$0x1] =	stream.indirect.gather [hbm4b:s5+s6], $0x80, s2, s6, $0xb8;
	[tilespmem:$0x10200] =	vst v63  }
0x93: {  	_ = 	snop  }
0x94: {  	[tilespmem:s8], [sflag:$0x1] =	stream.indirect.gather [hbm4b:s5+s6], $0x80, s6, s6, $0xb8;
	[tilespmem:$0x10200] =	vst v63  }
0x95: {  	_ = 	snop  }
0x96: {  	[tilespmem:s10], [sflag:$0x1] =	stream.indirect.gather [hbm4b:s5+s6], $0x80, s9, s6, $0xb8;
	[tilespmem:$0x10200] =	vst v63  }
0x97: {  	_ = 	snop  }
0x98: {  	[tilespmem:s12], [sflag:$0x1] =	stream.indirect.gather [hbm4b:s5+s6], $0x80, s11, s6, $0xb8;
	[tilespmem:$0x10200] =	vst v63  }
0x99: {  	_ =	swait.ge [sflag:s13], $0x4000  }
0x9a: {  	[sflag:s13] =	ssyncset.done $0x0  }
0x9b: {  	[sflag:s13] =	ssyncadd.s32 $0xFFFFC000  }
0x9c: {  	_ =	swait.ge [sflag:s13], $0x4000  }
0x9d: {  	[sflag:s13] =	ssyncset.done $0x0  }
0x9e: {  	[sflag:s13] =	ssyncadd.s32 $0xFFFFC000  }
0x9f: {  	_ =	swait.ge [sflag:s13], $0x4000  }
0xa0: {  	[sflag:s13] =	ssyncset.done $0x0  }
0xa1: {  	[sflag:s13] =	ssyncadd.s32 $0xFFFFC000  }
0xa2: {  	_ =	swait.ge [sflag:s13], $0x4000  }
.Ltmp1:
0xa3: {  	[sflag:s13] =	ssyncset.done $0x0;
	(pc) =	sbr.rel @p0 .LBB2_1-.Ltmp1, $4  }
0xa4: {  	[sflag:s13] =	ssyncadd.s32 $0xFFFFC000  }
0xa5: {  	[hbm4b:s18+s2] =	stream.linear.scatter [tilespmem:s7], [sflag:$0x2], $0x10000, $0x38;
	[tilespmem:$0x10200] =	vst v63  }
0xa6: {  	_ =	swait.ge [sflag:s3], $0x10000  }
0xa7: {  	[sflag:s3] =	ssyncset.done $0x0  }
.LBB2_2:
0xa8: {  	[sflag:s3] =	ssyncadd.s32 $0xFFFF0000  }
0xa9: {  	_ =	sfence.sel $0x180000  }
0xaa: {  	[bflag:$0x0] =	sbarrier.arrive $0xFFFF  }
0xab: {  	p0 =	sne.s32 s0, $0x0;
	_ =	strace $0x90000047  }
0xac: {  	s0 =	sadd.s32 @!p0 $0x100000, s1;
	[bflag:$0x2] =	sbarrier.arrive $0xFFFF  }
0xad: {  	[sflag:s0] =	ssyncadd.tile.s32 @!p0 $0x1;
	_ =	shalt  }
.Lfunc_end2:
_tile_overlayer_lowered:
.L_overlay_start_2:
0xae: {  	(tag) =	ssettag $0x2  }
0xaf: {  	s0 =	rddreg [dreg:$0x0];
	s2 =	stileid.u32  }
0xb0: {  	s1 =	rddreg [dreg:$0x1];
	p0 =	sne.s32 s2, $0x0  }
0xb1: {  	s3 =	rddreg [dreg:$0x2];
	[bflag:$0x3] =	sbarrier.arrive $0xFFFF;
	s2 =	simm.s32 @!p0 $0x1C02  }
0xb2: {  	[timem:s3], [sflag:s2] =	dma.local @!p0 [hbm:s0], s1  }
0xb3: {  	s0 =	simm.s32 @!p0 $0x2  }
0xb4: {  	_ =	swait.ge @!p0 [sflag:s0], s1  }
0xb5: {  	s1 =	ssub.s32 @!p0 $0x0, s1;
	[sflag:s0] =	ssyncset.done @!p0 $0x0  }
0xb6: {  	[sflag:s0] =	ssyncadd.s32 @!p0 s1  }
0xb7: {  	[bflag:$0x3] =	sbarrier.arrive $0xFFFF  }
0xb8: {  	_ =	shalt  }

</sc_bundles>
